<compile_context>
chip_gen: v7x
topology: tpu7x:2x2x1
jax: 0.10.2.dev20260603
libtpu: 0.0.44.dev20260713+nightly
codegen_flags: <defaults>
</compile_context>

<pallas_src>
import functools

import jax
import jax.numpy as jnp
from jax import lax
from jax.experimental import pallas as pl
from jax.experimental.pallas import tpu as pltpu
from jax.experimental.pallas import tpu_sc as plsc

N_NODES = 10000
N_EDGES = 320000
H_DIM = 128
N_REL = 200

NC, NS, L = 2, 16, 16
NODES_PAD = 10112
T_ROWS = NODES_PAD + N_REL
CHUNK = 128
ITEMS_PER_TEC = 20096
HALF_ITEMS = NS * ITEMS_PER_TEC
N_CHUNKS = ITEMS_PER_TEC // CHUNK
ROWS_PER_TEC = NODES_PAD // NS
DUMMY_DST = N_NODES
SLOPE = (1.0 / 8.0 + 1.0 / 3.0) / 2.0



def _prep_body(x_ref, wn_ref, ws_ref, xw_ref, hs_ref):
    xb = x_ref[...]
    xw_ref[...] = jnp.dot(xb, wn_ref[...], preferred_element_type=jnp.float32)
    hs_ref[...] = jnp.dot(xb, ws_ref[...], preferred_element_type=jnp.float32)


def _rel_mm_body(r_ref, et_ref, w_ref, o_ref, eto_ref):
    o_ref[...] = jnp.dot(r_ref[...], w_ref[...], preferred_element_type=jnp.float32)
    eto_ref[...] = et_ref[...] + NODES_PAD


def _combine_mm_body(a0_ref, a1_ref, d0_ref, d1_ref, hs_ref, wn_ref, ws_ref,
                     hw_ref, hs2_ref):
    h = _combined_h(a0_ref, a1_ref, d0_ref, d1_ref, hs_ref)
    hw_ref[...] = jnp.dot(h, wn_ref[...], preferred_element_type=jnp.float32)
    hs2_ref[...] = jnp.dot(h, ws_ref[...], preferred_element_type=jnp.float32)


def _combine_out_body(a0_ref, a1_ref, d0_ref, d1_ref, hs_ref, h_ref):
    h_ref[...] = _combined_h(a0_ref, a1_ref, d0_ref, d1_ref, hs_ref)


def _combined_h(a0_ref, a1_ref, d0_ref, d1_ref, hs_ref):
    agg = a0_ref[...] + a1_ref[...]
    deg = d0_ref[...][:, 0:1] + d1_ref[...][:, 0:1]
    deg = jnp.clip(deg, 1.0, None)
    h = agg / deg + hs_ref[...]
    h = jnp.where(h >= 0, h, h * SLOPE)
    norm = jnp.sqrt(jnp.sum(h * h, axis=1, keepdims=True))
    return h / (norm + 1e-12)


_GRID = 8
_XB = NODES_PAD // _GRID


def _node_spec():
    return pl.BlockSpec((_XB, H_DIM), lambda i: (i, 0))


def _w_spec():
    return pl.BlockSpec((H_DIM, H_DIM), lambda i: (0, 0))


def _prep_call(x, wn, ws):
    return pl.pallas_call(
        _prep_body,
        grid=(_GRID,),
        in_specs=[_node_spec(), _w_spec(), _w_spec()],
        out_specs=[_node_spec(), _node_spec()],
        out_shape=[jax.ShapeDtypeStruct((NODES_PAD, H_DIM), jnp.float32),
                   jax.ShapeDtypeStruct((NODES_PAD, H_DIM), jnp.float32)],
    )(x, wn, ws)


def _rel_mm_call(rel, et2d, w):
    return pl.pallas_call(
        _rel_mm_body,
        out_shape=[jax.ShapeDtypeStruct((N_REL, H_DIM), jnp.float32),
                   jax.ShapeDtypeStruct(et2d.shape, jnp.int32)],
    )(rel, et2d, w)


def _deg_spec():
    return pl.BlockSpec((_XB, H_DIM), lambda i: (i, 0))


def _combine_mm_call(a0, a1, d0, d1, hs, wn, ws):
    return pl.pallas_call(
        _combine_mm_body,
        grid=(_GRID,),
        in_specs=[_node_spec(), _node_spec(), _deg_spec(), _deg_spec(),
                  _node_spec(), _w_spec(), _w_spec()],
        out_specs=[_node_spec(), _node_spec()],
        out_shape=[jax.ShapeDtypeStruct((NODES_PAD, H_DIM), jnp.float32),
                   jax.ShapeDtypeStruct((NODES_PAD, H_DIM), jnp.float32)],
    )(a0, a1, d0, d1, hs, wn, ws)


def _combine_out_call(a0, a1, d0, d1, hs):
    return pl.pallas_call(
        _combine_out_body,
        grid=(_GRID,),
        in_specs=[_node_spec(), _node_spec(), _deg_spec(), _deg_spec(),
                  _node_spec()],
        out_specs=_node_spec(),
        out_shape=jax.ShapeDtypeStruct((NODES_PAD, H_DIM), jnp.float32),
    )(a0, a1, d0, d1, hs)



def _mesh():
    return plsc.VectorSubcoreMesh(core_axis_name="c", subcore_axis_name="s",
                                  num_cores=NC, num_subcores=NS)


def _zero_shared(src_buf, shared, row0, step):
    zoff = 0
    while zoff < ROWS_PER_TEC:
        zn = min(step, ROWS_PER_TEC - zoff)
        pltpu.sync_copy(src_buf.at[pl.ds(0, zn)],
                        shared.at[pl.ds(row0 + zoff, zn)])
        zoff += zn


def _sc_agg_body(src2_hbm, dst2_hbm, t_hbm, agg_out,
                 sidx, didx, rows, agg_sp, gsem):
    c = lax.axis_index("c")
    s = lax.axis_index("s")

    def _zrow(r, carry):
        for j in range(H_DIM // L):
            rows[r, pl.ds(j * L, L)] = jnp.zeros((L,), jnp.float32)
        return carry
    lax.fori_loop(0, CHUNK, _zrow, 0)

    row0 = pl.multiple_of(s * ROWS_PER_TEC, ROWS_PER_TEC)
    _zero_shared(rows, agg_sp, row0, CHUNK)

    plsc.subcore_barrier()

    item0 = pl.multiple_of(c * HALF_ITEMS + s * ITEMS_PER_TEC, CHUNK)

    def _chunk(g, carry):
        base = pl.multiple_of(item0 + g * CHUNK, CHUNK)
        pltpu.sync_copy(src2_hbm.at[pl.ds(base, CHUNK)], sidx)
        pltpu.sync_copy(dst2_hbm.at[pl.ds(base, CHUNK)], didx)
        pltpu.async_copy(t_hbm.at[sidx], rows, gsem).wait()
        pltpu.sync_copy(rows, agg_sp.at[didx], add=True)
        return carry
    lax.fori_loop(0, N_CHUNKS, _chunk, 0)

    plsc.subcore_barrier()

    out_base = pl.multiple_of(c * NODES_PAD + row0, ROWS_PER_TEC)
    pltpu.sync_copy(agg_sp.at[pl.ds(row0, ROWS_PER_TEC)],
                    agg_out.at[pl.ds(out_base, ROWS_PER_TEC)])


def _make_sc_agg_kernel():
    scratch = [
        pltpu.VMEM((CHUNK,), jnp.int32),
        pltpu.VMEM((CHUNK,), jnp.int32),
        pltpu.VMEM((CHUNK, H_DIM), jnp.float32),
        pltpu.VMEM_SHARED((NODES_PAD, H_DIM), jnp.float32),
        pltpu.SemaphoreType.DMA,
    ]
    return pl.kernel(
        _sc_agg_body,
        out_type=[jax.ShapeDtypeStruct((NC * NODES_PAD, H_DIM), jnp.float32)],
        mesh=_mesh(), scratch_types=scratch)


DEG_CHUNK = 64
DEG_ITEMS_PER_TEC = HALF_ITEMS // (NC * NS)
DEG_CHUNKS = DEG_ITEMS_PER_TEC // DEG_CHUNK


def _sc_deg_body(dsth_hbm, deg_out, didx, ones, zbufd, deg_sp):
    c = lax.axis_index("c")
    s = lax.axis_index("s")

    def _fill(r, carry):
        for j in range(H_DIM // L):
            zbufd[r, pl.ds(j * L, L)] = jnp.zeros((L,), jnp.float32)
            ones[r, pl.ds(j * L, L)] = jnp.ones((L,), jnp.float32)
        return carry
    lax.fori_loop(0, DEG_CHUNK, _fill, 0)

    row0 = pl.multiple_of(s * ROWS_PER_TEC, ROWS_PER_TEC)
    _zero_shared(zbufd, deg_sp, row0, DEG_CHUNK)

    plsc.subcore_barrier()

    item0 = pl.multiple_of((c * NS + s) * DEG_ITEMS_PER_TEC, 8)

    def _chunk(g, carry):
        base = pl.multiple_of(item0 + g * DEG_CHUNK, 8)
        pltpu.sync_copy(dsth_hbm.at[pl.ds(base, DEG_CHUNK)], didx)
        pltpu.sync_copy(ones, deg_sp.at[didx], add=True)
        return carry
    lax.fori_loop(0, DEG_CHUNKS, _chunk, 0)

    plsc.subcore_barrier()

    out_base = pl.multiple_of(c * NODES_PAD + row0, ROWS_PER_TEC)
    pltpu.sync_copy(deg_sp.at[pl.ds(row0, ROWS_PER_TEC)],
                    deg_out.at[pl.ds(out_base, ROWS_PER_TEC)])


def _make_sc_deg_kernel():
    scratch = [
        pltpu.VMEM((DEG_CHUNK,), jnp.int32),
        pltpu.VMEM((DEG_CHUNK, H_DIM), jnp.float32),
        pltpu.VMEM((DEG_CHUNK, H_DIM), jnp.float32),
        pltpu.VMEM_SHARED((NODES_PAD, H_DIM), jnp.float32),
    ]
    return pl.kernel(
        _sc_deg_body,
        out_type=[jax.ShapeDtypeStruct((NC * NODES_PAD, H_DIM), jnp.float32)],
        mesh=_mesh(), scratch_types=scratch)



def kernel(x, rel_emb, W_neigh1, W_self1, W_neigh2, W_self2,
           edge_index, edge_type):
    src = edge_index[0].astype(jnp.int32)
    dst = edge_index[1].astype(jnp.int32)
    et = edge_type.astype(jnp.int32)

    x_pad = jnp.pad(x, ((0, NODES_PAD - N_NODES), (0, 0)))
    et2d = et.reshape(N_EDGES // H_DIM, H_DIM)

    xw, hs1 = _prep_call(x_pad, W_neigh1, W_self1)
    rw1, eto = _rel_mm_call(rel_emb, et2d, W_neigh1)

    pad_i = HALF_ITEMS - N_EDGES
    src_h = jnp.concatenate([src, jnp.zeros((pad_i,), jnp.int32)])
    rel_h = jnp.concatenate([eto.reshape(-1), jnp.zeros((pad_i,), jnp.int32)])
    src2 = jnp.concatenate([src_h, rel_h])
    dst_h = jnp.concatenate([dst, jnp.full((pad_i,), DUMMY_DST, jnp.int32)])
    dst2 = jnp.concatenate([dst_h, dst_h])

    (deg,) = _make_sc_deg_kernel()(dst_h)
    d0, d1 = deg[:NODES_PAD], deg[NODES_PAD:]

    t1 = jnp.concatenate([xw, rw1], axis=0)
    (agg1,) = _make_sc_agg_kernel()(src2, dst2, t1)
    a1_0, a1_1 = agg1[:NODES_PAD], agg1[NODES_PAD:]

    hw2, hs2 = _combine_mm_call(a1_0, a1_1, d0, d1, hs1, W_neigh2, W_self2)
    rw2, _ = _rel_mm_call(rel_emb, et2d, W_neigh2)

    t2 = jnp.concatenate([hw2, rw2], axis=0)
    (agg2,) = _make_sc_agg_kernel()(src2, dst2, t2)
    a2_0, a2_1 = agg2[:NODES_PAD], agg2[NODES_PAD:]

    h2 = _combine_out_call(a2_0, a2_1, d0, d1, hs2)
    return h2[:N_NODES]

# --- scband reference (transcript-rebuilt; emitter-appended) ---
"""Pipeline reference for scband-recurrent-rgcn-74414603370831 (READ-ONLY COPY).

The authoritative reference and input builder live on the scoring server;
editing this copy changes nothing except your own understanding.
"""

import jax, jax.numpy as jnp
import numpy as np

N_NODES = 10000
N_EDGES = 320000
H_DIM = 128
N_REL = 200  # 2 * num_rels (forward + inverse relations)


def setup_inputs(seed: int = 0) -> dict:
    key = jax.random.key(seed)
    ks = jax.random.split(key, 8)
    x = jax.random.normal(ks[0], (N_NODES, H_DIM), dtype=jnp.float32)
    rel_emb = jax.random.normal(ks[1], (N_REL, H_DIM), dtype=jnp.float32)
    edge_index = jax.random.randint(ks[2], (2, N_EDGES), 0, N_NODES, dtype=jnp.int64)
    edge_type = jax.random.randint(ks[3], (N_EDGES,), 0, N_REL, dtype=jnp.int64)
    s = 1.0 / np.sqrt(H_DIM)
    W_neigh1 = jax.random.uniform(ks[4], (H_DIM, H_DIM), jnp.float32, -s, s)
    W_self1 = jax.random.uniform(ks[5], (H_DIM, H_DIM), jnp.float32, -s, s)
    W_neigh2 = jax.random.uniform(ks[6], (H_DIM, H_DIM), jnp.float32, -s, s)
    W_self2 = jax.random.uniform(ks[7], (H_DIM, H_DIM), jnp.float32, -s, s)
    return {"x": x, "rel_emb": rel_emb, "W_neigh1": W_neigh1, "W_self1": W_self1,
            "W_neigh2": W_neigh2, "W_self2": W_self2,
            "edge_index": edge_index, "edge_type": edge_type}


def _rrelu_eval(x):
    # F.rrelu in eval mode == leaky relu with slope (lower+upper)/2 = (1/8 + 1/3)/2
    slope = (1.0 / 8.0 + 1.0 / 3.0) / 2.0
    return jnp.where(x >= 0, x, x * slope)


def _l2norm(h):
    return h / (jnp.linalg.norm(h, axis=1, keepdims=True) + 1e-12)


def _union_rgcn_layer(h, r, W_neigh, W_self, src, dst, edge_type):
    # message: comp(h_src, rel) @ W_neigh  (RE-GCN style sub/add composition -> use add)
    msg = (jnp.take(h, src, axis=0) + jnp.take(r, edge_type, axis=0)) @ W_neigh
    agg = jax.ops.segment_sum(msg, dst, num_segments=N_NODES)
    deg = jax.ops.segment_sum(jnp.ones((src.shape[0],), jnp.float32), dst, num_segments=N_NODES)
    agg = agg / jnp.clip(deg, 1.0, None)[:, None]
    out = agg + h @ W_self  # self-loop
    return _rrelu_eval(out)


def reference(x, rel_emb, W_neigh1, W_self1, W_neigh2, W_self2, edge_index, edge_type):
    src = edge_index[0]
    dst = edge_index[1]
    h = _union_rgcn_layer(x, rel_emb, W_neigh1, W_self1, src, dst, edge_type)
    h = _l2norm(h)  # layer_norm=True path (F.normalize style)
    h = _union_rgcn_layer(h, rel_emb, W_neigh2, W_self2, src, dst, edge_type)
    h = _l2norm(h)
    return h

if __name__ == "__main__":
    import jax
    _d = setup_inputs()
    print(jax.jit(kernel)(*tuple(_d.values())))

</pallas_src>

<mosaic_0001>
#map = affine_map<(d0, d1) -> (0)>
#map1 = affine_map<(d0, d1) -> (0, 0)>
module attributes {stable_mosaic.version = 14 : i64} {
  func.func @_sc_agg_body(%arg0: i32, %arg1: i32, %arg2: memref<643072xi32, #tpu.memory_space<hbm>>, %arg3: memref<643072xi32, #tpu.memory_space<hbm>>, %arg4: memref<10312x128xf32, #tpu.memory_space<hbm>>, %arg5: memref<20224x128xf32, #tpu.memory_space<hbm>>, %arg6: memref<128xi32, #tpu.memory_space<vmem>>, %arg7: memref<128xi32, #tpu.memory_space<vmem>>, %arg8: memref<128x128xf32, #tpu.memory_space<vmem>>, %arg9: memref<10112x128xf32, #tpu.memory_space<vmem_shared>>, %arg10: memref<!tpu.dma_semaphore, #tpu.memory_space<semaphore_mem>>) attributes {dimension_semantics = [#tpu.dimension_semantics<core_parallel>, #tpu.dimension_semantics<subcore_parallel>], iteration_bounds = array<i64: 2, 16>, scalar_prefetch = 0 : i64, scratch_operands = 5 : i64, tpu.core_type = #tpu.core_type<sc_vector_subcore>, window_params = [{transform_indices = #map}, {transform_indices = #map}, {transform_indices = #map1}, {transform_indices = #map1}]} {
    %scan3A = arith.constant 0 : i32
    %scan3A_0 = arith.constant 0 : i32
    %scan3A_1 = arith.constant 128 : i32
    %scan3A_2 = arith.addi %scan3A_0, %scan3A_1 : i32
    %scan3A_3 = arith.constant 1 : i32
    scf.for %scan3A_32 = %scan3A_0 to %scan3A_2 step %scan3A_3  : i32 {
      %broadcast_in_dim3A = arith.constant 0.000000e+00 : f32
      %broadcast_in_dim3A_33 = vector.broadcast %broadcast_in_dim3A : f32 to vector<16xf32>
      %swap3A = arith.index_cast %scan3A_32 : i32 to index
      %swap3A_34 = arith.constant 0 : index
      %swap3A_35 = tpu.vector_load %arg8[%swap3A, %swap3A_34] {strides = array<i32>} : memref<128x128xf32, #tpu.memory_space<vmem>>, vector<1x16xf32>,
      %swap3A_36 = vector.shape_cast %swap3A_35 : vector<1x16xf32> to vector<16xf32>
      %swap3A_37 = vector.shape_cast %broadcast_in_dim3A_33 : vector<16xf32> to vector<1x16xf32>
      tpu.vector_store %arg8[%swap3A, %swap3A_34], %swap3A_37 {strides = array<i32>} : memref<128x128xf32, #tpu.memory_space<vmem>>, vector<1x16xf32>,
      %broadcast_in_dim3A_38 = arith.constant 0.000000e+00 : f32
      %broadcast_in_dim3A_39 = vector.broadcast %broadcast_in_dim3A_38 : f32 to vector<16xf32>
      %swap3A_40 = arith.index_cast %scan3A_32 : i32 to index
      %swap3A_41 = arith.constant 16 : index
      %swap3A_42 = tpu.vector_load %arg8[%swap3A_40, %swap3A_41] {strides = array<i32>} : memref<128x128xf32, #tpu.memory_space<vmem>>, vector<1x16xf32>,
      %swap3A_43 = vector.shape_cast %swap3A_42 : vector<1x16xf32> to vector<16xf32>
      %swap3A_44 = vector.shape_cast %broadcast_in_dim3A_39 : vector<16xf32> to vector<1x16xf32>
      tpu.vector_store %arg8[%swap3A_40, %swap3A_41], %swap3A_44 {strides = array<i32>} : memref<128x128xf32, #tpu.memory_space<vmem>>, vector<1x16xf32>,
      %broadcast_in_dim3A_45 = arith.constant 0.000000e+00 : f32
      %broadcast_in_dim3A_46 = vector.broadcast %broadcast_in_dim3A_45 : f32 to vector<16xf32>
      %swap3A_47 = arith.index_cast %scan3A_32 : i32 to index
      %swap3A_48 = arith.constant 32 : index
      %swap3A_49 = tpu.vector_load %arg8[%swap3A_47, %swap3A_48] {strides = array<i32>} : memref<128x128xf32, #tpu.memory_space<vmem>>, vector<1x16xf32>,
      %swap3A_50 = vector.shape_cast %swap3A_49 : vector<1x16xf32> to vector<16xf32>
      %swap3A_51 = vector.shape_cast %broadcast_in_dim3A_46 : vector<16xf32> to vector<1x16xf32>
      tpu.vector_store %arg8[%swap3A_47, %swap3A_48], %swap3A_51 {strides = array<i32>} : memref<128x128xf32, #tpu.memory_space<vmem>>, vector<1x16xf32>,
      %broadcast_in_dim3A_52 = arith.constant 0.000000e+00 : f32
      %broadcast_in_dim3A_53 = vector.broadcast %broadcast_in_dim3A_52 : f32 to vector<16xf32>
      %swap3A_54 = arith.index_cast %scan3A_32 : i32 to index
      %swap3A_55 = arith.constant 48 : index
      %swap3A_56 = tpu.vector_load %arg8[%swap3A_54, %swap3A_55] {strides = array<i32>} : memref<128x128xf32, #tpu.memory_space<vmem>>, vector<1x16xf32>,
      %swap3A_57 = vector.shape_cast %swap3A_56 : vector<1x16xf32> to vector<16xf32>
      %swap3A_58 = vector.shape_cast %broadcast_in_dim3A_53 : vector<16xf32> to vector<1x16xf32>
      tpu.vector_store %arg8[%swap3A_54, %swap3A_55], %swap3A_58 {strides = array<i32>} : memref<128x128xf32, #tpu.memory_space<vmem>>, vector<1x16xf32>,
      %broadcast_in_dim3A_59 = arith.constant 0.000000e+00 : f32
      %broadcast_in_dim3A_60 = vector.broadcast %broadcast_in_dim3A_59 : f32 to vector<16xf32>
      %swap3A_61 = arith.index_cast %scan3A_32 : i32 to index
      %swap3A_62 = arith.constant 64 : index
      %swap3A_63 = tpu.vector_load %arg8[%swap3A_61, %swap3A_62] {strides = array<i32>} : memref<128x128xf32, #tpu.memory_space<vmem>>, vector<1x16xf32>,
      %swap3A_64 = vector.shape_cast %swap3A_63 : vector<1x16xf32> to vector<16xf32>
      %swap3A_65 = vector.shape_cast %broadcast_in_dim3A_60 : vector<16xf32> to vector<1x16xf32>
      tpu.vector_store %arg8[%swap3A_61, %swap3A_62], %swap3A_65 {strides = array<i32>} : memref<128x128xf32, #tpu.memory_space<vmem>>, vector<1x16xf32>,
      %broadcast_in_dim3A_66 = arith.constant 0.000000e+00 : f32
      %broadcast_in_dim3A_67 = vector.broadcast %broadcast_in_dim3A_66 : f32 to vector<16xf32>
      %swap3A_68 = arith.index_cast %scan3A_32 : i32 to index
      %swap3A_69 = arith.constant 80 : index
      %swap3A_70 = tpu.vector_load %arg8[%swap3A_68, %swap3A_69] {strides = array<i32>} : memref<128x128xf32, #tpu.memory_space<vmem>>, vector<1x16xf32>,
      %swap3A_71 = vector.shape_cast %swap3A_70 : vector<1x16xf32> to vector<16xf32>
      %swap3A_72 = vector.shape_cast %broadcast_in_dim3A_67 : vector<16xf32> to vector<1x16xf32>
      tpu.vector_store %arg8[%swap3A_68, %swap3A_69], %swap3A_72 {strides = array<i32>} : memref<128x128xf32, #tpu.memory_space<vmem>>, vector<1x16xf32>,
      %broadcast_in_dim3A_73 = arith.constant 0.000000e+00 : f32
      %broadcast_in_dim3A_74 = vector.broadcast %broadcast_in_dim3A_73 : f32 to vector<16xf32>
      %swap3A_75 = arith.index_cast %scan3A_32 : i32 to index
      %swap3A_76 = arith.constant 96 : index
      %swap3A_77 = tpu.vector_load %arg8[%swap3A_75, %swap3A_76] {strides = array<i32>} : memref<128x128xf32, #tpu.memory_space<vmem>>, vector<1x16xf32>,
      %swap3A_78 = vector.shape_cast %swap3A_77 : vector<1x16xf32> to vector<16xf32>
      %swap3A_79 = vector.shape_cast %broadcast_in_dim3A_74 : vector<16xf32> to vector<1x16xf32>
      tpu.vector_store %arg8[%swap3A_75, %swap3A_76], %swap3A_79 {strides = array<i32>} : memref<128x128xf32, #tpu.memory_space<vmem>>, vector<1x16xf32>,
      %broadcast_in_dim3A_80 = arith.constant 0.000000e+00 : f32
      %broadcast_in_dim3A_81 = vector.broadcast %broadcast_in_dim3A_80 : f32 to vector<16xf32>
      %swap3A_82 = arith.index_cast %scan3A_32 : i32 to index
      %swap3A_83 = arith.constant 112 : index
      %swap3A_84 = tpu.vector_load %arg8[%swap3A_82, %swap3A_83] {strides = array<i32>} : memref<128x128xf32, #tpu.memory_space<vmem>>, vector<1x16xf32>,
      %swap3A_85 = vector.shape_cast %swap3A_84 : vector<1x16xf32> to vector<16xf32>
      %swap3A_86 = vector.shape_cast %broadcast_in_dim3A_81 : vector<16xf32> to vector<1x16xf32>
      tpu.vector_store %arg8[%swap3A_82, %swap3A_83], %swap3A_86 {strides = array<i32>} : memref<128x128xf32, #tpu.memory_space<vmem>>, vector<1x16xf32>,
    }
    %scan3A_4 = arith.constant 128 : i32
    %mul3A = arith.constant 632 : i32
    %mul3A_5 = arith.muli %arg1, %mul3A : i32
    %multiple_of3A = tpu.assume_multiple %mul3A_5, 632 : i32
    %add3A = arith.constant 0 : i32
    %add3A_6 = arith.addi %multiple_of3A, %add3A : i32
    "tpu.region"() ({
      %run_scoped3A = tpu.sem_alloc : memref<!tpu.dma_semaphore, #tpu.memory_space<semaphore_mem>>
      %dma_start3A = arith.constant 0 : i32
      %dma_start3A_32 = arith.constant 0 : i32
      %dma_start3A_33 = tpu.memref_slice %arg8[%dma_start3A, %dma_start3A_32] : memref<128x128xf32, #tpu.memory_space<vmem>> -> memref<128x128xf32, #tpu.memory_space<vmem>>
      %dma_start3A_34 = arith.constant 0 : i32
      %dma_start3A_35 = tpu.memref_slice %arg9[%add3A_6, %dma_start3A_34] : memref<10112x128xf32, #tpu.memory_space<vmem_shared>> -> memref<128x128xf32, #tpu.memory_space<vmem_shared>>
      %dma_start3A_36 = arith.constant 0 : i32
      %dma_start3A_37 = tpu.memref_slice %arg9[%add3A_6, %dma_start3A_36] : memref<10112x128xf32, #tpu.memory_space<vmem_shared>> -> memref<128x128xf32, #tpu.memory_space<vmem_shared>>
      %dma_start3A_38 = arith.constant 0 : i32
      %dma_start3A_39 = arith.constant 0 : i32
      %dma_start3A_40 = tpu.memref_slice %arg8[%dma_start3A_38, %dma_start3A_39] : memref<128x128xf32, #tpu.memory_space<vmem>> -> memref<128x128xf32, #tpu.memory_space<vmem>>
      tpu.enqueue_dma source(%dma_start3A_40 : memref<128x128xf32, #tpu.memory_space<vmem>>) target(%dma_start3A_37 : memref<128x128xf32, #tpu.memory_space<vmem_shared>>) target_semaphore(%run_scoped3A : memref<!tpu.dma_semaphore, #tpu.memory_space<semaphore_mem>>)
      %dma_wait3A = arith.constant 0 : i32
      %dma_wait3A_41 = arith.constant 0 : i32
      %dma_wait3A_42 = tpu.memref_slice %arg8[%dma_wait3A, %dma_wait3A_41] : memref<128x128xf32, #tpu.memory_space<vmem>> -> memref<128x128xf32, #tpu.memory_space<vmem>>
      %dma_wait3A_43 = arith.constant 0 : i32
      %dma_wait3A_44 = tpu.memref_slice %arg9[%add3A_6, %dma_wait3A_43] : memref<10112x128xf32, #tpu.memory_space<vmem_shared>> -> memref<128x128xf32, #tpu.memory_space<vmem_shared>>
      %dma_wait3A_45 = arith.constant 0 : i32
      %dma_wait3A_46 = tpu.memref_slice %arg9[%add3A_6, %dma_wait3A_45] : memref<10112x128xf32, #tpu.memory_space<vmem_shared>> -> memref<128x128xf32, #tpu.memory_space<vmem_shared>>
      %dma_wait3A_47 = arith.constant 0 : i32
      %dma_wait3A_48 = arith.constant 0 : i32
      %dma_wait3A_49 = tpu.memref_slice %arg8[%dma_wait3A_47, %dma_wait3A_48] : memref<128x128xf32, #tpu.memory_space<vmem>> -> memref<128x128xf32, #tpu.memory_space<vmem>>
      tpu.wait_dma2 semaphore(%run_scoped3A : memref<!tpu.dma_semaphore, #tpu.memory_space<semaphore_mem>>) src(%dma_wait3A_49 : memref<128x128xf32, #tpu.memory_space<vmem>>) dst(%dma_wait3A_46 : memref<128x128xf32, #tpu.memory_space<vmem_shared>>)
      tpu.yield
    }) : () -> ()
    %add3A_7 = arith.constant 128 : i32
    %add3A_8 = arith.addi %multiple_of3A, %add3A_7 : i32
    "tpu.region"() ({
      %run_scoped3A = tpu.sem_alloc : memref<!tpu.dma_semaphore, #tpu.memory_space<semaphore_mem>>
      %dma_start3A = arith.constant 0 : i32
      %dma_start3A_32 = arith.constant 0 : i32
      %dma_start3A_33 = tpu.memref_slice %arg8[%dma_start3A, %dma_start3A_32] : memref<128x128xf32, #tpu.memory_space<vmem>> -> memref<128x128xf32, #tpu.memory_space<vmem>>
      %dma_start3A_34 = arith.constant 0 : i32
      %dma_start3A_35 = tpu.memref_slice %arg9[%add3A_8, %dma_start3A_34] : memref<10112x128xf32, #tpu.memory_space<vmem_shared>> -> memref<128x128xf32, #tpu.memory_space<vmem_shared>>
      %dma_start3A_36 = arith.constant 0 : i32
      %dma_start3A_37 = tpu.memref_slice %arg9[%add3A_8, %dma_start3A_36] : memref<10112x128xf32, #tpu.memory_space<vmem_shared>> -> memref<128x128xf32, #tpu.memory_space<vmem_shared>>
      %dma_start3A_38 = arith.constant 0 : i32
      %dma_start3A_39 = arith.constant 0 : i32
      %dma_start3A_40 = tpu.memref_slice %arg8[%dma_start3A_38, %dma_start3A_39] : memref<128x128xf32, #tpu.memory_space<vmem>> -> memref<128x128xf32, #tpu.memory_space<vmem>>
      tpu.enqueue_dma source(%dma_start3A_40 : memref<128x128xf32, #tpu.memory_space<vmem>>) target(%dma_start3A_37 : memref<128x128xf32, #tpu.memory_space<vmem_shared>>) target_semaphore(%run_scoped3A : memref<!tpu.dma_semaphore, #tpu.memory_space<semaphore_mem>>)
      %dma_wait3A = arith.constant 0 : i32
      %dma_wait3A_41 = arith.constant 0 : i32
      %dma_wait3A_42 = tpu.memref_slice %arg8[%dma_wait3A, %dma_wait3A_41] : memref<128x128xf32, #tpu.memory_space<vmem>> -> memref<128x128xf32, #tpu.memory_space<vmem>>
      %dma_wait3A_43 = arith.constant 0 : i32
      %dma_wait3A_44 = tpu.memref_slice %arg9[%add3A_8, %dma_wait3A_43] : memref<10112x128xf32, #tpu.memory_space<vmem_shared>> -> memref<128x128xf32, #tpu.memory_space<vmem_shared>>
      %dma_wait3A_45 = arith.constant 0 : i32
      %dma_wait3A_46 = tpu.memref_slice %arg9[%add3A_8, %dma_wait3A_45] : memref<10112x128xf32, #tpu.memory_space<vmem_shared>> -> memref<128x128xf32, #tpu.memory_space<vmem_shared>>
      %dma_wait3A_47 = arith.constant 0 : i32
      %dma_wait3A_48 = arith.constant 0 : i32
      %dma_wait3A_49 = tpu.memref_slice %arg8[%dma_wait3A_47, %dma_wait3A_48] : memref<128x128xf32, #tpu.memory_space<vmem>> -> memref<128x128xf32, #tpu.memory_space<vmem>>
      tpu.wait_dma2 semaphore(%run_scoped3A : memref<!tpu.dma_semaphore, #tpu.memory_space<semaphore_mem>>) src(%dma_wait3A_49 : memref<128x128xf32, #tpu.memory_space<vmem>>) dst(%dma_wait3A_46 : memref<128x128xf32, #tpu.memory_space<vmem_shared>>)
      tpu.yield
    }) : () -> ()
    %add3A_9 = arith.constant 256 : i32
    %add3A_10 = arith.addi %multiple_of3A, %add3A_9 : i32
    "tpu.region"() ({
      %run_scoped3A = tpu.sem_alloc : memref<!tpu.dma_semaphore, #tpu.memory_space<semaphore_mem>>
      %dma_start3A = arith.constant 0 : i32
      %dma_start3A_32 = arith.constant 0 : i32
      %dma_start3A_33 = tpu.memref_slice %arg8[%dma_start3A, %dma_start3A_32] : memref<128x128xf32, #tpu.memory_space<vmem>> -> memref<128x128xf32, #tpu.memory_space<vmem>>
      %dma_start3A_34 = arith.constant 0 : i32
      %dma_start3A_35 = tpu.memref_slice %arg9[%add3A_10, %dma_start3A_34] : memref<10112x128xf32, #tpu.memory_space<vmem_shared>> -> memref<128x128xf32, #tpu.memory_space<vmem_shared>>
      %dma_start3A_36 = arith.constant 0 : i32
      %dma_start3A_37 = tpu.memref_slice %arg9[%add3A_10, %dma_start3A_36] : memref<10112x128xf32, #tpu.memory_space<vmem_shared>> -> memref<128x128xf32, #tpu.memory_space<vmem_shared>>
      %dma_start3A_38 = arith.constant 0 : i32
      %dma_start3A_39 = arith.constant 0 : i32
      %dma_start3A_40 = tpu.memref_slice %arg8[%dma_start3A_38, %dma_start3A_39] : memref<128x128xf32, #tpu.memory_space<vmem>> -> memref<128x128xf32, #tpu.memory_space<vmem>>
      tpu.enqueue_dma source(%dma_start3A_40 : memref<128x128xf32, #tpu.memory_space<vmem>>) target(%dma_start3A_37 : memref<128x128xf32, #tpu.memory_space<vmem_shared>>) target_semaphore(%run_scoped3A : memref<!tpu.dma_semaphore, #tpu.memory_space<semaphore_mem>>)
      %dma_wait3A = arith.constant 0 : i32
      %dma_wait3A_41 = arith.constant 0 : i32
      %dma_wait3A_42 = tpu.memref_slice %arg8[%dma_wait3A, %dma_wait3A_41] : memref<128x128xf32, #tpu.memory_space<vmem>> -> memref<128x128xf32, #tpu.memory_space<vmem>>
      %dma_wait3A_43 = arith.constant 0 : i32
      %dma_wait3A_44 = tpu.memref_slice %arg9[%add3A_10, %dma_wait3A_43] : memref<10112x128xf32, #tpu.memory_space<vmem_shared>> -> memref<128x128xf32, #tpu.memory_space<vmem_shared>>
      %dma_wait3A_45 = arith.constant 0 : i32
      %dma_wait3A_46 = tpu.memref_slice %arg9[%add3A_10, %dma_wait3A_45] : memref<10112x128xf32, #tpu.memory_space<vmem_shared>> -> memref<128x128xf32, #tpu.memory_space<vmem_shared>>
      %dma_wait3A_47 = arith.constant 0 : i32
      %dma_wait3A_48 = arith.constant 0 : i32
      %dma_wait3A_49 = tpu.memref_slice %arg8[%dma_wait3A_47, %dma_wait3A_48] : memref<128x128xf32, #tpu.memory_space<vmem>> -> memref<128x128xf32, #tpu.memory_space<vmem>>
      tpu.wait_dma2 semaphore(%run_scoped3A : memref<!tpu.dma_semaphore, #tpu.memory_space<semaphore_mem>>) src(%dma_wait3A_49 : memref<128x128xf32, #tpu.memory_space<vmem>>) dst(%dma_wait3A_46 : memref<128x128xf32, #tpu.memory_space<vmem_shared>>)
      tpu.yield
    }) : () -> ()
    %add3A_11 = arith.constant 384 : i32
    %add3A_12 = arith.addi %multiple_of3A, %add3A_11 : i32
    "tpu.region"() ({
      %run_scoped3A = tpu.sem_alloc : memref<!tpu.dma_semaphore, #tpu.memory_space<semaphore_mem>>
      %dma_start3A = arith.constant 0 : i32
      %dma_start3A_32 = arith.constant 0 : i32
      %dma_start3A_33 = tpu.memref_slice %arg8[%dma_start3A, %dma_start3A_32] : memref<128x128xf32, #tpu.memory_space<vmem>> -> memref<128x128xf32, #tpu.memory_space<vmem>>
      %dma_start3A_34 = arith.constant 0 : i32
      %dma_start3A_35 = tpu.memref_slice %arg9[%add3A_12, %dma_start3A_34] : memref<10112x128xf32, #tpu.memory_space<vmem_shared>> -> memref<128x128xf32, #tpu.memory_space<vmem_shared>>
      %dma_start3A_36 = arith.constant 0 : i32
      %dma_start3A_37 = tpu.memref_slice %arg9[%add3A_12, %dma_start3A_36] : memref<10112x128xf32, #tpu.memory_space<vmem_shared>> -> memref<128x128xf32, #tpu.memory_space<vmem_shared>>
      %dma_start3A_38 = arith.constant 0 : i32
      %dma_start3A_39 = arith.constant 0 : i32
      %dma_start3A_40 = tpu.memref_slice %arg8[%dma_start3A_38, %dma_start3A_39] : memref<128x128xf32, #tpu.memory_space<vmem>> -> memref<128x128xf32, #tpu.memory_space<vmem>>
      tpu.enqueue_dma source(%dma_start3A_40 : memref<128x128xf32, #tpu.memory_space<vmem>>) target(%dma_start3A_37 : memref<128x128xf32, #tpu.memory_space<vmem_shared>>) target_semaphore(%run_scoped3A : memref<!tpu.dma_semaphore, #tpu.memory_space<semaphore_mem>>)
      %dma_wait3A = arith.constant 0 : i32
      %dma_wait3A_41 = arith.constant 0 : i32
      %dma_wait3A_42 = tpu.memref_slice %arg8[%dma_wait3A, %dma_wait3A_41] : memref<128x128xf32, #tpu.memory_space<vmem>> -> memref<128x128xf32, #tpu.memory_space<vmem>>
      %dma_wait3A_43 = arith.constant 0 : i32
      %dma_wait3A_44 = tpu.memref_slice %arg9[%add3A_12, %dma_wait3A_43] : memref<10112x128xf32, #tpu.memory_space<vmem_shared>> -> memref<128x128xf32, #tpu.memory_space<vmem_shared>>
      %dma_wait3A_45 = arith.constant 0 : i32
      %dma_wait3A_46 = tpu.memref_slice %arg9[%add3A_12, %dma_wait3A_45] : memref<10112x128xf32, #tpu.memory_space<vmem_shared>> -> memref<128x128xf32, #tpu.memory_space<vmem_shared>>
      %dma_wait3A_47 = arith.constant 0 : i32
      %dma_wait3A_48 = arith.constant 0 : i32
      %dma_wait3A_49 = tpu.memref_slice %arg8[%dma_wait3A_47, %dma_wait3A_48] : memref<128x128xf32, #tpu.memory_space<vmem>> -> memref<128x128xf32, #tpu.memory_space<vmem>>
      tpu.wait_dma2 semaphore(%run_scoped3A : memref<!tpu.dma_semaphore, #tpu.memory_space<semaphore_mem>>) src(%dma_wait3A_49 : memref<128x128xf32, #tpu.memory_space<vmem>>) dst(%dma_wait3A_46 : memref<128x128xf32, #tpu.memory_space<vmem_shared>>)
      tpu.yield
    }) : () -> ()
    %add3A_13 = arith.constant 512 : i32
    %add3A_14 = arith.addi %multiple_of3A, %add3A_13 : i32
    "tpu.region"() ({
      %run_scoped3A = tpu.sem_alloc : memref<!tpu.dma_semaphore, #tpu.memory_space<semaphore_mem>>
      %dma_start3A = arith.constant 0 : i32
      %dma_start3A_32 = arith.constant 0 : i32
      %dma_start3A_33 = tpu.memref_slice %arg8[%dma_start3A, %dma_start3A_32] : memref<128x128xf32, #tpu.memory_space<vmem>> -> memref<120x128xf32, #tpu.memory_space<vmem>>
      %dma_start3A_34 = arith.constant 0 : i32
      %dma_start3A_35 = tpu.memref_slice %arg9[%add3A_14, %dma_start3A_34] : memref<10112x128xf32, #tpu.memory_space<vmem_shared>> -> memref<120x128xf32, #tpu.memory_space<vmem_shared>>
      %dma_start3A_36 = arith.constant 0 : i32
      %dma_start3A_37 = tpu.memref_slice %arg9[%add3A_14, %dma_start3A_36] : memref<10112x128xf32, #tpu.memory_space<vmem_shared>> -> memref<120x128xf32, #tpu.memory_space<vmem_shared>>
      %dma_start3A_38 = arith.constant 0 : i32
      %dma_start3A_39 = arith.constant 0 : i32
      %dma_start3A_40 = tpu.memref_slice %arg8[%dma_start3A_38, %dma_start3A_39] : memref<128x128xf32, #tpu.memory_space<vmem>> -> memref<120x128xf32, #tpu.memory_space<vmem>>
      tpu.enqueue_dma source(%dma_start3A_40 : memref<120x128xf32, #tpu.memory_space<vmem>>) target(%dma_start3A_37 : memref<120x128xf32, #tpu.memory_space<vmem_shared>>) target_semaphore(%run_scoped3A : memref<!tpu.dma_semaphore, #tpu.memory_space<semaphore_mem>>)
      %dma_wait3A = arith.constant 0 : i32
      %dma_wait3A_41 = arith.constant 0 : i32
      %dma_wait3A_42 = tpu.memref_slice %arg8[%dma_wait3A, %dma_wait3A_41] : memref<128x128xf32, #tpu.memory_space<vmem>> -> memref<120x128xf32, #tpu.memory_space<vmem>>
      %dma_wait3A_43 = arith.constant 0 : i32
      %dma_wait3A_44 = tpu.memref_slice %arg9[%add3A_14, %dma_wait3A_43] : memref<10112x128xf32, #tpu.memory_space<vmem_shared>> -> memref<120x128xf32, #tpu.memory_space<vmem_shared>>
      %dma_wait3A_45 = arith.constant 0 : i32
      %dma_wait3A_46 = tpu.memref_slice %arg9[%add3A_14, %dma_wait3A_45] : memref<10112x128xf32, #tpu.memory_space<vmem_shared>> -> memref<120x128xf32, #tpu.memory_space<vmem_shared>>
      %dma_wait3A_47 = arith.constant 0 : i32
      %dma_wait3A_48 = arith.constant 0 : i32
      %dma_wait3A_49 = tpu.memref_slice %arg8[%dma_wait3A_47, %dma_wait3A_48] : memref<128x128xf32, #tpu.memory_space<vmem>> -> memref<120x128xf32, #tpu.memory_space<vmem>>
      tpu.wait_dma2 semaphore(%run_scoped3A : memref<!tpu.dma_semaphore, #tpu.memory_space<semaphore_mem>>) src(%dma_wait3A_49 : memref<120x128xf32, #tpu.memory_space<vmem>>) dst(%dma_wait3A_46 : memref<120x128xf32, #tpu.memory_space<vmem_shared>>)
      tpu.yield
    }) : () -> ()
    %barrier3A = arith.constant 0 : index
    tpu.barrier barrier_id(%barrier3A)
    %mul3A_15 = arith.constant 321536 : i32
    %mul3A_16 = arith.muli %arg0, %mul3A_15 : i32
    %mul3A_17 = arith.constant 20096 : i32
    %mul3A_18 = arith.muli %arg1, %mul3A_17 : i32
    %add3A_19 = arith.addi %mul3A_16, %mul3A_18 : i32
    %multiple_of3A_20 = tpu.assume_multiple %add3A_19, 128 : i32
    %scan3A_21 = arith.constant 0 : i32
    %scan3A_22 = arith.constant 0 : i32
    %scan3A_23 = arith.constant 157 : i32
    %scan3A_24 = arith.addi %scan3A_22, %scan3A_23 : i32
    %scan3A_25 = arith.constant 1 : i32
    scf.for %scan3A_32 = %scan3A_22 to %scan3A_24 step %scan3A_25  : i32 {
      %mul3A_33 = arith.constant 128 : i32
      %mul3A_34 = arith.muli %scan3A_32, %mul3A_33 : i32
      %add3A_35 = arith.addi %multiple_of3A_20, %mul3A_34 : i32
      %multiple_of3A_36 = tpu.assume_multiple %add3A_35, 128 : i32
      "tpu.region"() ({
        %run_scoped3A = tpu.sem_alloc : memref<!tpu.dma_semaphore, #tpu.memory_space<semaphore_mem>>
        %dma_start3A_41 = tpu.memref_slice %arg2[%multiple_of3A_36] : memref<643072xi32, #tpu.memory_space<hbm>> -> memref<128xi32, #tpu.memory_space<hbm>>
        %dma_start3A_42 = tpu.memref_slice %arg2[%multiple_of3A_36] : memref<643072xi32, #tpu.memory_space<hbm>> -> memref<128xi32, #tpu.memory_space<hbm>>
        tpu.enqueue_dma source(%dma_start3A_42 : memref<128xi32, #tpu.memory_space<hbm>>) target(%arg6 : memref<128xi32, #tpu.memory_space<vmem>>) target_semaphore(%run_scoped3A : memref<!tpu.dma_semaphore, #tpu.memory_space<semaphore_mem>>)
        %dma_wait3A_43 = tpu.memref_slice %arg2[%multiple_of3A_36] : memref<643072xi32, #tpu.memory_space<hbm>> -> memref<128xi32, #tpu.memory_space<hbm>>
        %dma_wait3A_44 = tpu.memref_slice %arg2[%multiple_of3A_36] : memref<643072xi32, #tpu.memory_space<hbm>> -> memref<128xi32, #tpu.memory_space<hbm>>
        tpu.wait_dma2 semaphore(%run_scoped3A : memref<!tpu.dma_semaphore, #tpu.memory_space<semaphore_mem>>) src(%dma_wait3A_44 : memref<128xi32, #tpu.memory_space<hbm>>) dst(%arg6 : memref<128xi32, #tpu.memory_space<vmem>>)
        tpu.yield
      }) : () -> ()
      "tpu.region"() ({
        %run_scoped3A = tpu.sem_alloc : memref<!tpu.dma_semaphore, #tpu.memory_space<semaphore_mem>>
        %dma_start3A_41 = tpu.memref_slice %arg3[%multiple_of3A_36] : memref<643072xi32, #tpu.memory_space<hbm>> -> memref<128xi32, #tpu.memory_space<hbm>>
        %dma_start3A_42 = tpu.memref_slice %arg3[%multiple_of3A_36] : memref<643072xi32, #tpu.memory_space<hbm>> -> memref<128xi32, #tpu.memory_space<hbm>>
        tpu.enqueue_dma source(%dma_start3A_42 : memref<128xi32, #tpu.memory_space<hbm>>) target(%arg7 : memref<128xi32, #tpu.memory_space<vmem>>) target_semaphore(%run_scoped3A : memref<!tpu.dma_semaphore, #tpu.memory_space<semaphore_mem>>)
        %dma_wait3A_43 = tpu.memref_slice %arg3[%multiple_of3A_36] : memref<643072xi32, #tpu.memory_space<hbm>> -> memref<128xi32, #tpu.memory_space<hbm>>
        %dma_wait3A_44 = tpu.memref_slice %arg3[%multiple_of3A_36] : memref<643072xi32, #tpu.memory_space<hbm>> -> memref<128xi32, #tpu.memory_space<hbm>>
        tpu.wait_dma2 semaphore(%run_scoped3A : memref<!tpu.dma_semaphore, #tpu.memory_space<semaphore_mem>>) src(%dma_wait3A_44 : memref<128xi32, #tpu.memory_space<hbm>>) dst(%arg7 : memref<128xi32, #tpu.memory_space<vmem>>)
        tpu.yield
      }) : () -> ()
      %dma_start3A = arith.constant 0 : i32
      %dma_start3A_37 = arith.constant 0 : i32
      %dma_start3A_38 = tpu.memref_slice %arg4[%dma_start3A, %dma_start3A_37] : memref<10312x128xf32, #tpu.memory_space<hbm>> -> memref<10312x128xf32, #tpu.memory_space<hbm>>
      tpu.enqueue_indirect_dma source(%dma_start3A_38 : memref<10312x128xf32, #tpu.memory_space<hbm>>) target(%arg8 : memref<128x128xf32, #tpu.memory_space<vmem>>) offsets(%arg6 : memref<128xi32, #tpu.memory_space<vmem>>) semaphore(%arg10 : memref<!tpu.dma_semaphore, #tpu.memory_space<semaphore_mem>>)
      %dma_wait3A = arith.constant 0 : i32
      %dma_wait3A_39 = arith.constant 0 : i32
      %dma_wait3A_40 = tpu.memref_slice %arg4[%dma_wait3A, %dma_wait3A_39] : memref<10312x128xf32, #tpu.memory_space<hbm>> -> memref<10312x128xf32, #tpu.memory_space<hbm>>
      tpu.wait_indirect_dma semaphore(%arg10 : memref<!tpu.dma_semaphore, #tpu.memory_space<semaphore_mem>>) src(%dma_wait3A_40 : memref<10312x128xf32, #tpu.memory_space<hbm>>) dst(%arg8 : memref<128x128xf32, #tpu.memory_space<vmem>>)
      "tpu.region"() ({
        %run_scoped3A = tpu.sem_alloc : memref<!tpu.dma_semaphore, #tpu.memory_space<semaphore_mem>>
        %dma_start3A_41 = arith.constant 0 : i32
        %dma_start3A_42 = arith.constant 0 : i32
        %dma_start3A_43 = tpu.memref_slice %arg9[%dma_start3A_41, %dma_start3A_42] : memref<10112x128xf32, #tpu.memory_space<vmem_shared>> -> memref<10112x128xf32, #tpu.memory_space<vmem_shared>>
        tpu.enqueue_indirect_dma source(%arg8 : memref<128x128xf32, #tpu.memory_space<vmem>>) target(%dma_start3A_43 : memref<10112x128xf32, #tpu.memory_space<vmem_shared>>) offsets(%arg7 : memref<128xi32, #tpu.memory_space<vmem>>) semaphore(%run_scoped3A : memref<!tpu.dma_semaphore, #tpu.memory_space<semaphore_mem>>) {add = true}
        %dma_wait3A_44 = arith.constant 0 : i32
        %dma_wait3A_45 = arith.constant 0 : i32
        %dma_wait3A_46 = tpu.memref_slice %arg9[%dma_wait3A_44, %dma_wait3A_45] : memref<10112x128xf32, #tpu.memory_space<vmem_shared>> -> memref<10112x128xf32, #tpu.memory_space<vmem_shared>>
        tpu.wait_indirect_dma semaphore(%run_scoped3A : memref<!tpu.dma_semaphore, #tpu.memory_space<semaphore_mem>>) src(%arg8 : memref<128x128xf32, #tpu.memory_space<vmem>>) dst(%dma_wait3A_46 : memref<10112x128xf32, #tpu.memory_space<vmem_shared>>)
        tpu.yield
      }) : () -> ()
    }
    %scan3A_26 = arith.constant 157 : i32
    %barrier3A_27 = arith.constant 0 : index
    tpu.barrier barrier_id(%barrier3A_27)
    %mul3A_28 = arith.constant 10112 : i32
    %mul3A_29 = arith.muli %arg0, %mul3A_28 : i32
    %add3A_30 = arith.addi %mul3A_29, %multiple_of3A : i32
    %multiple_of3A_31 = tpu.assume_multiple %add3A_30, 632 : i32
    "tpu.region"() ({
      %run_scoped3A = tpu.sem_alloc : memref<!tpu.dma_semaphore, #tpu.memory_space<semaphore_mem>>
      %dma_start3A = arith.constant 0 : i32
      %dma_start3A_32 = tpu.memref_slice %arg5[%multiple_of3A_31, %dma_start3A] : memref<20224x128xf32, #tpu.memory_space<hbm>> -> memref<632x128xf32, #tpu.memory_space<hbm>>
      %dma_start3A_33 = arith.constant 0 : i32
      %dma_start3A_34 = tpu.memref_slice %arg9[%multiple_of3A, %dma_start3A_33] : memref<10112x128xf32, #tpu.memory_space<vmem_shared>> -> memref<632x128xf32, #tpu.memory_space<vmem_shared>>
      tpu.enqueue_dma source(%dma_start3A_34 : memref<632x128xf32, #tpu.memory_space<vmem_shared>>) target(%dma_start3A_32 : memref<632x128xf32, #tpu.memory_space<hbm>>) target_semaphore(%run_scoped3A : memref<!tpu.dma_semaphore, #tpu.memory_space<semaphore_mem>>)
      %dma_wait3A = arith.constant 0 : i32
      %dma_wait3A_35 = tpu.memref_slice %arg5[%multiple_of3A_31, %dma_wait3A] : memref<20224x128xf32, #tpu.memory_space<hbm>> -> memref<632x128xf32, #tpu.memory_space<hbm>>
      %dma_wait3A_36 = arith.constant 0 : i32
      %dma_wait3A_37 = tpu.memref_slice %arg9[%multiple_of3A, %dma_wait3A_36] : memref<10112x128xf32, #tpu.memory_space<vmem_shared>> -> memref<632x128xf32, #tpu.memory_space<vmem_shared>>
      tpu.wait_dma2 semaphore(%run_scoped3A : memref<!tpu.dma_semaphore, #tpu.memory_space<semaphore_mem>>) src(%dma_wait3A_37 : memref<632x128xf32, #tpu.memory_space<vmem_shared>>) dst(%dma_wait3A_35 : memref<632x128xf32, #tpu.memory_space<hbm>>)
      tpu.yield
    }) : () -> ()
    return
  }
}

#map = affine_map<(d0, d1) -> (0)>
#map1 = affine_map<(d0, d1) -> (0, 0)>
module attributes {stable_mosaic.version = 14 : i64} {
  func.func @_sc_deg_body(%arg0: i32, %arg1: i32, %arg2: memref<321536xi32, #tpu.memory_space<hbm>>, %arg3: memref<20224x128xf32, #tpu.memory_space<hbm>>, %arg4: memref<64xi32, #tpu.memory_space<vmem>>, %arg5: memref<64x128xf32, #tpu.memory_space<vmem>>, %arg6: memref<64x128xf32, #tpu.memory_space<vmem>>, %arg7: memref<10112x128xf32, #tpu.memory_space<vmem_shared>>) attributes {dimension_semantics = [#tpu.dimension_semantics<core_parallel>, #tpu.dimension_semantics<subcore_parallel>], iteration_bounds = array<i64: 2, 16>, scalar_prefetch = 0 : i64, scratch_operands = 4 : i64, tpu.core_type = #tpu.core_type<sc_vector_subcore>, window_params = [{transform_indices = #map}, {transform_indices = #map1}]} {
    %scan3A = arith.constant 0 : i32
    %scan3A_0 = arith.constant 0 : i32
    %scan3A_1 = arith.constant 64 : i32
    %scan3A_2 = arith.addi %scan3A_0, %scan3A_1 : i32
    %scan3A_3 = arith.constant 1 : i32
    scf.for %scan3A_42 = %scan3A_0 to %scan3A_2 step %scan3A_3  : i32 {
      %broadcast_in_dim3A = arith.constant 0.000000e+00 : f32
      %broadcast_in_dim3A_43 = vector.broadcast %broadcast_in_dim3A : f32 to vector<16xf32>
      %swap3A = arith.index_cast %scan3A_42 : i32 to index
      %swap3A_44 = arith.constant 0 : index
      %swap3A_45 = tpu.vector_load %arg6[%swap3A, %swap3A_44] {strides = array<i32>} : memref<64x128xf32, #tpu.memory_space<vmem>>, vector<1x16xf32>,
      %swap3A_46 = vector.shape_cast %swap3A_45 : vector<1x16xf32> to vector<16xf32>
      %swap3A_47 = vector.shape_cast %broadcast_in_dim3A_43 : vector<16xf32> to vector<1x16xf32>
      tpu.vector_store %arg6[%swap3A, %swap3A_44], %swap3A_47 {strides = array<i32>} : memref<64x128xf32, #tpu.memory_space<vmem>>, vector<1x16xf32>,
      %broadcast_in_dim3A_48 = arith.constant 1.000000e+00 : f32
      %broadcast_in_dim3A_49 = vector.broadcast %broadcast_in_dim3A_48 : f32 to vector<16xf32>
      %swap3A_50 = arith.index_cast %scan3A_42 : i32 to index
      %swap3A_51 = arith.constant 0 : index
      %swap3A_52 = tpu.vector_load %arg5[%swap3A_50, %swap3A_51] {strides = array<i32>} : memref<64x128xf32, #tpu.memory_space<vmem>>, vector<1x16xf32>,
      %swap3A_53 = vector.shape_cast %swap3A_52 : vector<1x16xf32> to vector<16xf32>
      %swap3A_54 = vector.shape_cast %broadcast_in_dim3A_49 : vector<16xf32> to vector<1x16xf32>
      tpu.vector_store %arg5[%swap3A_50, %swap3A_51], %swap3A_54 {strides = array<i32>} : memref<64x128xf32, #tpu.memory_space<vmem>>, vector<1x16xf32>,
      %broadcast_in_dim3A_55 = arith.constant 0.000000e+00 : f32
      %broadcast_in_dim3A_56 = vector.broadcast %broadcast_in_dim3A_55 : f32 to vector<16xf32>
      %swap3A_57 = arith.index_cast %scan3A_42 : i32 to index
      %swap3A_58 = arith.constant 16 : index
      %swap3A_59 = tpu.vector_load %arg6[%swap3A_57, %swap3A_58] {strides = array<i32>} : memref<64x128xf32, #tpu.memory_space<vmem>>, vector<1x16xf32>,
      %swap3A_60 = vector.shape_cast %swap3A_59 : vector<1x16xf32> to vector<16xf32>
      %swap3A_61 = vector.shape_cast %broadcast_in_dim3A_56 : vector<16xf32> to vector<1x16xf32>
      tpu.vector_store %arg6[%swap3A_57, %swap3A_58], %swap3A_61 {strides = array<i32>} : memref<64x128xf32, #tpu.memory_space<vmem>>, vector<1x16xf32>,
      %broadcast_in_dim3A_62 = arith.constant 1.000000e+00 : f32
      %broadcast_in_dim3A_63 = vector.broadcast %broadcast_in_dim3A_62 : f32 to vector<16xf32>
      %swap3A_64 = arith.index_cast %scan3A_42 : i32 to index
      %swap3A_65 = arith.constant 16 : index
      %swap3A_66 = tpu.vector_load %arg5[%swap3A_64, %swap3A_65] {strides = array<i32>} : memref<64x128xf32, #tpu.memory_space<vmem>>, vector<1x16xf32>,
      %swap3A_67 = vector.shape_cast %swap3A_66 : vector<1x16xf32> to vector<16xf32>
      %swap3A_68 = vector.shape_cast %broadcast_in_dim3A_63 : vector<16xf32> to vector<1x16xf32>
      tpu.vector_store %arg5[%swap3A_64, %swap3A_65], %swap3A_68 {strides = array<i32>} : memref<64x128xf32, #tpu.memory_space<vmem>>, vector<1x16xf32>,
      %broadcast_in_dim3A_69 = arith.constant 0.000000e+00 : f32
      %broadcast_in_dim3A_70 = vector.broadcast %broadcast_in_dim3A_69 : f32 to vector<16xf32>
      %swap3A_71 = arith.index_cast %scan3A_42 : i32 to index
      %swap3A_72 = arith.constant 32 : index
      %swap3A_73 = tpu.vector_load %arg6[%swap3A_71, %swap3A_72] {strides = array<i32>} : memref<64x128xf32, #tpu.memory_space<vmem>>, vector<1x16xf32>,
      %swap3A_74 = vector.shape_cast %swap3A_73 : vector<1x16xf32> to vector<16xf32>
      %swap3A_75 = vector.shape_cast %broadcast_in_dim3A_70 : vector<16xf32> to vector<1x16xf32>
      tpu.vector_store %arg6[%swap3A_71, %swap3A_72], %swap3A_75 {strides = array<i32>} : memref<64x128xf32, #tpu.memory_space<vmem>>, vector<1x16xf32>,
      %broadcast_in_dim3A_76 = arith.constant 1.000000e+00 : f32
      %broadcast_in_dim3A_77 = vector.broadcast %broadcast_in_dim3A_76 : f32 to vector<16xf32>
      %swap3A_78 = arith.index_cast %scan3A_42 : i32 to index
      %swap3A_79 = arith.constant 32 : index
      %swap3A_80 = tpu.vector_load %arg5[%swap3A_78, %swap3A_79] {strides = array<i32>} : memref<64x128xf32, #tpu.memory_space<vmem>>, vector<1x16xf32>,
      %swap3A_81 = vector.shape_cast %swap3A_80 : vector<1x16xf32> to vector<16xf32>
      %swap3A_82 = vector.shape_cast %broadcast_in_dim3A_77 : vector<16xf32> to vector<1x16xf32>
      tpu.vector_store %arg5[%swap3A_78, %swap3A_79], %swap3A_82 {strides = array<i32>} : memref<64x128xf32, #tpu.memory_space<vmem>>, vector<1x16xf32>,
      %broadcast_in_dim3A_83 = arith.constant 0.000000e+00 : f32
      %broadcast_in_dim3A_84 = vector.broadcast %broadcast_in_dim3A_83 : f32 to vector<16xf32>
      %swap3A_85 = arith.index_cast %scan3A_42 : i32 to index
      %swap3A_86 = arith.constant 48 : index
      %swap3A_87 = tpu.vector_load %arg6[%swap3A_85, %swap3A_86] {strides = array<i32>} : memref<64x128xf32, #tpu.memory_space<vmem>>, vector<1x16xf32>,
      %swap3A_88 = vector.shape_cast %swap3A_87 : vector<1x16xf32> to vector<16xf32>
      %swap3A_89 = vector.shape_cast %broadcast_in_dim3A_84 : vector<16xf32> to vector<1x16xf32>
      tpu.vector_store %arg6[%swap3A_85, %swap3A_86], %swap3A_89 {strides = array<i32>} : memref<64x128xf32, #tpu.memory_space<vmem>>, vector<1x16xf32>,
      %broadcast_in_dim3A_90 = arith.constant 1.000000e+00 : f32
      %broadcast_in_dim3A_91 = vector.broadcast %broadcast_in_dim3A_90 : f32 to vector<16xf32>
      %swap3A_92 = arith.index_cast %scan3A_42 : i32 to index
      %swap3A_93 = arith.constant 48 : index
      %swap3A_94 = tpu.vector_load %arg5[%swap3A_92, %swap3A_93] {strides = array<i32>} : memref<64x128xf32, #tpu.memory_space<vmem>>, vector<1x16xf32>,
      %swap3A_95 = vector.shape_cast %swap3A_94 : vector<1x16xf32> to vector<16xf32>
      %swap3A_96 = vector.shape_cast %broadcast_in_dim3A_91 : vector<16xf32> to vector<1x16xf32>
      tpu.vector_store %arg5[%swap3A_92, %swap3A_93], %swap3A_96 {strides = array<i32>} : memref<64x128xf32, #tpu.memory_space<vmem>>, vector<1x16xf32>,
      %broadcast_in_dim3A_97 = arith.constant 0.000000e+00 : f32
      %broadcast_in_dim3A_98 = vector.broadcast %broadcast_in_dim3A_97 : f32 to vector<16xf32>
      %swap3A_99 = arith.index_cast %scan3A_42 : i32 to index
      %swap3A_100 = arith.constant 64 : index
      %swap3A_101 = tpu.vector_load %arg6[%swap3A_99, %swap3A_100] {strides = array<i32>} : memref<64x128xf32, #tpu.memory_space<vmem>>, vector<1x16xf32>,
      %swap3A_102 = vector.shape_cast %swap3A_101 : vector<1x16xf32> to vector<16xf32>
      %swap3A_103 = vector.shape_cast %broadcast_in_dim3A_98 : vector<16xf32> to vector<1x16xf32>
      tpu.vector_store %arg6[%swap3A_99, %swap3A_100], %swap3A_103 {strides = array<i32>} : memref<64x128xf32, #tpu.memory_space<vmem>>, vector<1x16xf32>,
      %broadcast_in_dim3A_104 = arith.constant 1.000000e+00 : f32
      %broadcast_in_dim3A_105 = vector.broadcast %broadcast_in_dim3A_104 : f32 to vector<16xf32>
      %swap3A_106 = arith.index_cast %scan3A_42 : i32 to index
      %swap3A_107 = arith.constant 64 : index
      %swap3A_108 = tpu.vector_load %arg5[%swap3A_106, %swap3A_107] {strides = array<i32>} : memref<64x128xf32, #tpu.memory_space<vmem>>, vector<1x16xf32>,
      %swap3A_109 = vector.shape_cast %swap3A_108 : vector<1x16xf32> to vector<16xf32>
      %swap3A_110 = vector.shape_cast %broadcast_in_dim3A_105 : vector<16xf32> to vector<1x16xf32>
      tpu.vector_store %arg5[%swap3A_106, %swap3A_107], %swap3A_110 {strides = array<i32>} : memref<64x128xf32, #tpu.memory_space<vmem>>, vector<1x16xf32>,
      %broadcast_in_dim3A_111 = arith.constant 0.000000e+00 : f32
      %broadcast_in_dim3A_112 = vector.broadcast %broadcast_in_dim3A_111 : f32 to vector<16xf32>
      %swap3A_113 = arith.index_cast %scan3A_42 : i32 to index
      %swap3A_114 = arith.constant 80 : index
      %swap3A_115 = tpu.vector_load %arg6[%swap3A_113, %swap3A_114] {strides = array<i32>} : memref<64x128xf32, #tpu.memory_space<vmem>>, vector<1x16xf32>,
      %swap3A_116 = vector.shape_cast %swap3A_115 : vector<1x16xf32> to vector<16xf32>
      %swap3A_117 = vector.shape_cast %broadcast_in_dim3A_112 : vector<16xf32> to vector<1x16xf32>
      tpu.vector_store %arg6[%swap3A_113, %swap3A_114], %swap3A_117 {strides = array<i32>} : memref<64x128xf32, #tpu.memory_space<vmem>>, vector<1x16xf32>,
      %broadcast_in_dim3A_118 = arith.constant 1.000000e+00 : f32
      %broadcast_in_dim3A_119 = vector.broadcast %broadcast_in_dim3A_118 : f32 to vector<16xf32>
      %swap3A_120 = arith.index_cast %scan3A_42 : i32 to index
      %swap3A_121 = arith.constant 80 : index
      %swap3A_122 = tpu.vector_load %arg5[%swap3A_120, %swap3A_121] {strides = array<i32>} : memref<64x128xf32, #tpu.memory_space<vmem>>, vector<1x16xf32>,
      %swap3A_123 = vector.shape_cast %swap3A_122 : vector<1x16xf32> to vector<16xf32>
      %swap3A_124 = vector.shape_cast %broadcast_in_dim3A_119 : vector<16xf32> to vector<1x16xf32>
      tpu.vector_store %arg5[%swap3A_120, %swap3A_121], %swap3A_124 {strides = array<i32>} : memref<64x128xf32, #tpu.memory_space<vmem>>, vector<1x16xf32>,
      %broadcast_in_dim3A_125 = arith.constant 0.000000e+00 : f32
      %broadcast_in_dim3A_126 = vector.broadcast %broadcast_in_dim3A_125 : f32 to vector<16xf32>
      %swap3A_127 = arith.index_cast %scan3A_42 : i32 to index
      %swap3A_128 = arith.constant 96 : index
      %swap3A_129 = tpu.vector_load %arg6[%swap3A_127, %swap3A_128] {strides = array<i32>} : memref<64x128xf32, #tpu.memory_space<vmem>>, vector<1x16xf32>,
      %swap3A_130 = vector.shape_cast %swap3A_129 : vector<1x16xf32> to vector<16xf32>
      %swap3A_131 = vector.shape_cast %broadcast_in_dim3A_126 : vector<16xf32> to vector<1x16xf32>
      tpu.vector_store %arg6[%swap3A_127, %swap3A_128], %swap3A_131 {strides = array<i32>} : memref<64x128xf32, #tpu.memory_space<vmem>>, vector<1x16xf32>,
      %broadcast_in_dim3A_132 = arith.constant 1.000000e+00 : f32
      %broadcast_in_dim3A_133 = vector.broadcast %broadcast_in_dim3A_132 : f32 to vector<16xf32>
      %swap3A_134 = arith.index_cast %scan3A_42 : i32 to index
      %swap3A_135 = arith.constant 96 : index
      %swap3A_136 = tpu.vector_load %arg5[%swap3A_134, %swap3A_135] {strides = array<i32>} : memref<64x128xf32, #tpu.memory_space<vmem>>, vector<1x16xf32>,
      %swap3A_137 = vector.shape_cast %swap3A_136 : vector<1x16xf32> to vector<16xf32>
      %swap3A_138 = vector.shape_cast %broadcast_in_dim3A_133 : vector<16xf32> to vector<1x16xf32>
      tpu.vector_store %arg5[%swap3A_134, %swap3A_135], %swap3A_138 {strides = array<i32>} : memref<64x128xf32, #tpu.memory_space<vmem>>, vector<1x16xf32>,
      %broadcast_in_dim3A_139 = arith.constant 0.000000e+00 : f32
      %broadcast_in_dim3A_140 = vector.broadcast %broadcast_in_dim3A_139 : f32 to vector<16xf32>
      %swap3A_141 = arith.index_cast %scan3A_42 : i32 to index
      %swap3A_142 = arith.constant 112 : index
      %swap3A_143 = tpu.vector_load %arg6[%swap3A_141, %swap3A_142] {strides = array<i32>} : memref<64x128xf32, #tpu.memory_space<vmem>>, vector<1x16xf32>,
      %swap3A_144 = vector.shape_cast %swap3A_143 : vector<1x16xf32> to vector<16xf32>
      %swap3A_145 = vector.shape_cast %broadcast_in_dim3A_140 : vector<16xf32> to vector<1x16xf32>
      tpu.vector_store %arg6[%swap3A_141, %swap3A_142], %swap3A_145 {strides = array<i32>} : memref<64x128xf32, #tpu.memory_space<vmem>>, vector<1x16xf32>,
      %broadcast_in_dim3A_146 = arith.constant 1.000000e+00 : f32
      %broadcast_in_dim3A_147 = vector.broadcast %broadcast_in_dim3A_146 : f32 to vector<16xf32>
      %swap3A_148 = arith.index_cast %scan3A_42 : i32 to index
      %swap3A_149 = arith.constant 112 : index
      %swap3A_150 = tpu.vector_load %arg5[%swap3A_148, %swap3A_149] {strides = array<i32>} : memref<64x128xf32, #tpu.memory_space<vmem>>, vector<1x16xf32>,
      %swap3A_151 = vector.shape_cast %swap3A_150 : vector<1x16xf32> to vector<16xf32>
      %swap3A_152 = vector.shape_cast %broadcast_in_dim3A_147 : vector<16xf32> to vector<1x16xf32>
      tpu.vector_store %arg5[%swap3A_148, %swap3A_149], %swap3A_152 {strides = array<i32>} : memref<64x128xf32, #tpu.memory_space<vmem>>, vector<1x16xf32>,
    }
    %scan3A_4 = arith.constant 64 : i32
    %mul3A = arith.constant 632 : i32
    %mul3A_5 = arith.muli %arg1, %mul3A : i32
    %multiple_of3A = tpu.assume_multiple %mul3A_5, 632 : i32
    %add3A = arith.constant 0 : i32
    %add3A_6 = arith.addi %multiple_of3A, %add3A : i32
    "tpu.region"() ({
      %run_scoped3A = tpu.sem_alloc : memref<!tpu.dma_semaphore, #tpu.memory_space<semaphore_mem>>
      %dma_start3A = arith.constant 0 : i32
      %dma_start3A_42 = arith.constant 0 : i32
      %dma_start3A_43 = tpu.memref_slice %arg6[%dma_start3A, %dma_start3A_42] : memref<64x128xf32, #tpu.memory_space<vmem>> -> memref<64x128xf32, #tpu.memory_space<vmem>>
      %dma_start3A_44 = arith.constant 0 : i32
      %dma_start3A_45 = tpu.memref_slice %arg7[%add3A_6, %dma_start3A_44] : memref<10112x128xf32, #tpu.memory_space<vmem_shared>> -> memref<64x128xf32, #tpu.memory_space<vmem_shared>>
      %dma_start3A_46 = arith.constant 0 : i32
      %dma_start3A_47 = tpu.memref_slice %arg7[%add3A_6, %dma_start3A_46] : memref<10112x128xf32, #tpu.memory_space<vmem_shared>> -> memref<64x128xf32, #tpu.memory_space<vmem_shared>>
      %dma_start3A_48 = arith.constant 0 : i32
      %dma_start3A_49 = arith.constant 0 : i32
      %dma_start3A_50 = tpu.memref_slice %arg6[%dma_start3A_48, %dma_start3A_49] : memref<64x128xf32, #tpu.memory_space<vmem>> -> memref<64x128xf32, #tpu.memory_space<vmem>>
      tpu.enqueue_dma source(%dma_start3A_50 : memref<64x128xf32, #tpu.memory_space<vmem>>) target(%dma_start3A_47 : memref<64x128xf32, #tpu.memory_space<vmem_shared>>) target_semaphore(%run_scoped3A : memref<!tpu.dma_semaphore, #tpu.memory_space<semaphore_mem>>)
      %dma_wait3A = arith.constant 0 : i32
      %dma_wait3A_51 = arith.constant 0 : i32
      %dma_wait3A_52 = tpu.memref_slice %arg6[%dma_wait3A, %dma_wait3A_51] : memref<64x128xf32, #tpu.memory_space<vmem>> -> memref<64x128xf32, #tpu.memory_space<vmem>>
      %dma_wait3A_53 = arith.constant 0 : i32
      %dma_wait3A_54 = tpu.memref_slice %arg7[%add3A_6, %dma_wait3A_53] : memref<10112x128xf32, #tpu.memory_space<vmem_shared>> -> memref<64x128xf32, #tpu.memory_space<vmem_shared>>
      %dma_wait3A_55 = arith.constant 0 : i32
      %dma_wait3A_56 = tpu.memref_slice %arg7[%add3A_6, %dma_wait3A_55] : memref<10112x128xf32, #tpu.memory_space<vmem_shared>> -> memref<64x128xf32, #tpu.memory_space<vmem_shared>>
      %dma_wait3A_57 = arith.constant 0 : i32
      %dma_wait3A_58 = arith.constant 0 : i32
      %dma_wait3A_59 = tpu.memref_slice %arg6[%dma_wait3A_57, %dma_wait3A_58] : memref<64x128xf32, #tpu.memory_space<vmem>> -> memref<64x128xf32, #tpu.memory_space<vmem>>
      tpu.wait_dma2 semaphore(%run_scoped3A : memref<!tpu.dma_semaphore, #tpu.memory_space<semaphore_mem>>) src(%dma_wait3A_59 : memref<64x128xf32, #tpu.memory_space<vmem>>) dst(%dma_wait3A_56 : memref<64x128xf32, #tpu.memory_space<vmem_shared>>)
      tpu.yield
    }) : () -> ()
    %add3A_7 = arith.constant 64 : i32
    %add3A_8 = arith.addi %multiple_of3A, %add3A_7 : i32
    "tpu.region"() ({
      %run_scoped3A = tpu.sem_alloc : memref<!tpu.dma_semaphore, #tpu.memory_space<semaphore_mem>>
      %dma_start3A = arith.constant 0 : i32
      %dma_start3A_42 = arith.constant 0 : i32
      %dma_start3A_43 = tpu.memref_slice %arg6[%dma_start3A, %dma_start3A_42] : memref<64x128xf32, #tpu.memory_space<vmem>> -> memref<64x128xf32, #tpu.memory_space<vmem>>
      %dma_start3A_44 = arith.constant 0 : i32
      %dma_start3A_45 = tpu.memref_slice %arg7[%add3A_8, %dma_start3A_44] : memref<10112x128xf32, #tpu.memory_space<vmem_shared>> -> memref<64x128xf32, #tpu.memory_space<vmem_shared>>
      %dma_start3A_46 = arith.constant 0 : i32
      %dma_start3A_47 = tpu.memref_slice %arg7[%add3A_8, %dma_start3A_46] : memref<10112x128xf32, #tpu.memory_space<vmem_shared>> -> memref<64x128xf32, #tpu.memory_space<vmem_shared>>
      %dma_start3A_48 = arith.constant 0 : i32
      %dma_start3A_49 = arith.constant 0 : i32
      %dma_start3A_50 = tpu.memref_slice %arg6[%dma_start3A_48, %dma_start3A_49] : memref<64x128xf32, #tpu.memory_space<vmem>> -> memref<64x128xf32, #tpu.memory_space<vmem>>
      tpu.enqueue_dma source(%dma_start3A_50 : memref<64x128xf32, #tpu.memory_space<vmem>>) target(%dma_start3A_47 : memref<64x128xf32, #tpu.memory_space<vmem_shared>>) target_semaphore(%run_scoped3A : memref<!tpu.dma_semaphore, #tpu.memory_space<semaphore_mem>>)
      %dma_wait3A = arith.constant 0 : i32
      %dma_wait3A_51 = arith.constant 0 : i32
      %dma_wait3A_52 = tpu.memref_slice %arg6[%dma_wait3A, %dma_wait3A_51] : memref<64x128xf32, #tpu.memory_space<vmem>> -> memref<64x128xf32, #tpu.memory_space<vmem>>
      %dma_wait3A_53 = arith.constant 0 : i32
      %dma_wait3A_54 = tpu.memref_slice %arg7[%add3A_8, %dma_wait3A_53] : memref<10112x128xf32, #tpu.memory_space<vmem_shared>> -> memref<64x128xf32, #tpu.memory_space<vmem_shared>>
      %dma_wait3A_55 = arith.constant 0 : i32
      %dma_wait3A_56 = tpu.memref_slice %arg7[%add3A_8, %dma_wait3A_55] : memref<10112x128xf32, #tpu.memory_space<vmem_shared>> -> memref<64x128xf32, #tpu.memory_space<vmem_shared>>
      %dma_wait3A_57 = arith.constant 0 : i32
      %dma_wait3A_58 = arith.constant 0 : i32
      %dma_wait3A_59 = tpu.memref_slice %arg6[%dma_wait3A_57, %dma_wait3A_58] : memref<64x128xf32, #tpu.memory_space<vmem>> -> memref<64x128xf32, #tpu.memory_space<vmem>>
      tpu.wait_dma2 semaphore(%run_scoped3A : memref<!tpu.dma_semaphore, #tpu.memory_space<semaphore_mem>>) src(%dma_wait3A_59 : memref<64x128xf32, #tpu.memory_space<vmem>>) dst(%dma_wait3A_56 : memref<64x128xf32, #tpu.memory_space<vmem_shared>>)
      tpu.yield
    }) : () -> ()
    %add3A_9 = arith.constant 128 : i32
    %add3A_10 = arith.addi %multiple_of3A, %add3A_9 : i32
    "tpu.region"() ({
      %run_scoped3A = tpu.sem_alloc : memref<!tpu.dma_semaphore, #tpu.memory_space<semaphore_mem>>
      %dma_start3A = arith.constant 0 : i32
      %dma_start3A_42 = arith.constant 0 : i32
      %dma_start3A_43 = tpu.memref_slice %arg6[%dma_start3A, %dma_start3A_42] : memref<64x128xf32, #tpu.memory_space<vmem>> -> memref<64x128xf32, #tpu.memory_space<vmem>>
      %dma_start3A_44 = arith.constant 0 : i32
      %dma_start3A_45 = tpu.memref_slice %arg7[%add3A_10, %dma_start3A_44] : memref<10112x128xf32, #tpu.memory_space<vmem_shared>> -> memref<64x128xf32, #tpu.memory_space<vmem_shared>>
      %dma_start3A_46 = arith.constant 0 : i32
      %dma_start3A_47 = tpu.memref_slice %arg7[%add3A_10, %dma_start3A_46] : memref<10112x128xf32, #tpu.memory_space<vmem_shared>> -> memref<64x128xf32, #tpu.memory_space<vmem_shared>>
      %dma_start3A_48 = arith.constant 0 : i32
      %dma_start3A_49 = arith.constant 0 : i32
      %dma_start3A_50 = tpu.memref_slice %arg6[%dma_start3A_48, %dma_start3A_49] : memref<64x128xf32, #tpu.memory_space<vmem>> -> memref<64x128xf32, #tpu.memory_space<vmem>>
      tpu.enqueue_dma source(%dma_start3A_50 : memref<64x128xf32, #tpu.memory_space<vmem>>) target(%dma_start3A_47 : memref<64x128xf32, #tpu.memory_space<vmem_shared>>) target_semaphore(%run_scoped3A : memref<!tpu.dma_semaphore, #tpu.memory_space<semaphore_mem>>)
      %dma_wait3A = arith.constant 0 : i32
      %dma_wait3A_51 = arith.constant 0 : i32
      %dma_wait3A_52 = tpu.memref_slice %arg6[%dma_wait3A, %dma_wait3A_51] : memref<64x128xf32, #tpu.memory_space<vmem>> -> memref<64x128xf32, #tpu.memory_space<vmem>>
      %dma_wait3A_53 = arith.constant 0 : i32
      %dma_wait3A_54 = tpu.memref_slice %arg7[%add3A_10, %dma_wait3A_53] : memref<10112x128xf32, #tpu.memory_space<vmem_shared>> -> memref<64x128xf32, #tpu.memory_space<vmem_shared>>
      %dma_wait3A_55 = arith.constant 0 : i32
      %dma_wait3A_56 = tpu.memref_slice %arg7[%add3A_10, %dma_wait3A_55] : memref<10112x128xf32, #tpu.memory_space<vmem_shared>> -> memref<64x128xf32, #tpu.memory_space<vmem_shared>>
      %dma_wait3A_57 = arith.constant 0 : i32
      %dma_wait3A_58 = arith.constant 0 : i32
      %dma_wait3A_59 = tpu.memref_slice %arg6[%dma_wait3A_57, %dma_wait3A_58] : memref<64x128xf32, #tpu.memory_space<vmem>> -> memref<64x128xf32, #tpu.memory_space<vmem>>
      tpu.wait_dma2 semaphore(%run_scoped3A : memref<!tpu.dma_semaphore, #tpu.memory_space<semaphore_mem>>) src(%dma_wait3A_59 : memref<64x128xf32, #tpu.memory_space<vmem>>) dst(%dma_wait3A_56 : memref<64x128xf32, #tpu.memory_space<vmem_shared>>)
      tpu.yield
    }) : () -> ()
    %add3A_11 = arith.constant 192 : i32
    %add3A_12 = arith.addi %multiple_of3A, %add3A_11 : i32
    "tpu.region"() ({
      %run_scoped3A = tpu.sem_alloc : memref<!tpu.dma_semaphore, #tpu.memory_space<semaphore_mem>>
      %dma_start3A = arith.constant 0 : i32
      %dma_start3A_42 = arith.constant 0 : i32
      %dma_start3A_43 = tpu.memref_slice %arg6[%dma_start3A, %dma_start3A_42] : memref<64x128xf32, #tpu.memory_space<vmem>> -> memref<64x128xf32, #tpu.memory_space<vmem>>
      %dma_start3A_44 = arith.constant 0 : i32
      %dma_start3A_45 = tpu.memref_slice %arg7[%add3A_12, %dma_start3A_44] : memref<10112x128xf32, #tpu.memory_space<vmem_shared>> -> memref<64x128xf32, #tpu.memory_space<vmem_shared>>
      %dma_start3A_46 = arith.constant 0 : i32
      %dma_start3A_47 = tpu.memref_slice %arg7[%add3A_12, %dma_start3A_46] : memref<10112x128xf32, #tpu.memory_space<vmem_shared>> -> memref<64x128xf32, #tpu.memory_space<vmem_shared>>
      %dma_start3A_48 = arith.constant 0 : i32
      %dma_start3A_49 = arith.constant 0 : i32
      %dma_start3A_50 = tpu.memref_slice %arg6[%dma_start3A_48, %dma_start3A_49] : memref<64x128xf32, #tpu.memory_space<vmem>> -> memref<64x128xf32, #tpu.memory_space<vmem>>
      tpu.enqueue_dma source(%dma_start3A_50 : memref<64x128xf32, #tpu.memory_space<vmem>>) target(%dma_start3A_47 : memref<64x128xf32, #tpu.memory_space<vmem_shared>>) target_semaphore(%run_scoped3A : memref<!tpu.dma_semaphore, #tpu.memory_space<semaphore_mem>>)
      %dma_wait3A = arith.constant 0 : i32
      %dma_wait3A_51 = arith.constant 0 : i32
      %dma_wait3A_52 = tpu.memref_slice %arg6[%dma_wait3A, %dma_wait3A_51] : memref<64x128xf32, #tpu.memory_space<vmem>> -> memref<64x128xf32, #tpu.memory_space<vmem>>
      %dma_wait3A_53 = arith.constant 0 : i32
      %dma_wait3A_54 = tpu.memref_slice %arg7[%add3A_12, %dma_wait3A_53] : memref<10112x128xf32, #tpu.memory_space<vmem_shared>> -> memref<64x128xf32, #tpu.memory_space<vmem_shared>>
      %dma_wait3A_55 = arith.constant 0 : i32
      %dma_wait3A_56 = tpu.memref_slice %arg7[%add3A_12, %dma_wait3A_55] : memref<10112x128xf32, #tpu.memory_space<vmem_shared>> -> memref<64x128xf32, #tpu.memory_space<vmem_shared>>
      %dma_wait3A_57 = arith.constant 0 : i32
      %dma_wait3A_58 = arith.constant 0 : i32
      %dma_wait3A_59 = tpu.memref_slice %arg6[%dma_wait3A_57, %dma_wait3A_58] : memref<64x128xf32, #tpu.memory_space<vmem>> -> memref<64x128xf32, #tpu.memory_space<vmem>>
      tpu.wait_dma2 semaphore(%run_scoped3A : memref<!tpu.dma_semaphore, #tpu.memory_space<semaphore_mem>>) src(%dma_wait3A_59 : memref<64x128xf32, #tpu.memory_space<vmem>>) dst(%dma_wait3A_56 : memref<64x128xf32, #tpu.memory_space<vmem_shared>>)
      tpu.yield
    }) : () -> ()
    %add3A_13 = arith.constant 256 : i32
    %add3A_14 = arith.addi %multiple_of3A, %add3A_13 : i32
    "tpu.region"() ({
      %run_scoped3A = tpu.sem_alloc : memref<!tpu.dma_semaphore, #tpu.memory_space<semaphore_mem>>
      %dma_start3A = arith.constant 0 : i32
      %dma_start3A_42 = arith.constant 0 : i32
      %dma_start3A_43 = tpu.memref_slice %arg6[%dma_start3A, %dma_start3A_42] : memref<64x128xf32, #tpu.memory_space<vmem>> -> memref<64x128xf32, #tpu.memory_space<vmem>>
      %dma_start3A_44 = arith.constant 0 : i32
      %dma_start3A_45 = tpu.memref_slice %arg7[%add3A_14, %dma_start3A_44] : memref<10112x128xf32, #tpu.memory_space<vmem_shared>> -> memref<64x128xf32, #tpu.memory_space<vmem_shared>>
      %dma_start3A_46 = arith.constant 0 : i32
      %dma_start3A_47 = tpu.memref_slice %arg7[%add3A_14, %dma_start3A_46] : memref<10112x128xf32, #tpu.memory_space<vmem_shared>> -> memref<64x128xf32, #tpu.memory_space<vmem_shared>>
      %dma_start3A_48 = arith.constant 0 : i32
      %dma_start3A_49 = arith.constant 0 : i32
      %dma_start3A_50 = tpu.memref_slice %arg6[%dma_start3A_48, %dma_start3A_49] : memref<64x128xf32, #tpu.memory_space<vmem>> -> memref<64x128xf32, #tpu.memory_space<vmem>>
      tpu.enqueue_dma source(%dma_start3A_50 : memref<64x128xf32, #tpu.memory_space<vmem>>) target(%dma_start3A_47 : memref<64x128xf32, #tpu.memory_space<vmem_shared>>) target_semaphore(%run_scoped3A : memref<!tpu.dma_semaphore, #tpu.memory_space<semaphore_mem>>)
      %dma_wait3A = arith.constant 0 : i32
      %dma_wait3A_51 = arith.constant 0 : i32
      %dma_wait3A_52 = tpu.memref_slice %arg6[%dma_wait3A, %dma_wait3A_51] : memref<64x128xf32, #tpu.memory_space<vmem>> -> memref<64x128xf32, #tpu.memory_space<vmem>>
      %dma_wait3A_53 = arith.constant 0 : i32
      %dma_wait3A_54 = tpu.memref_slice %arg7[%add3A_14, %dma_wait3A_53] : memref<10112x128xf32, #tpu.memory_space<vmem_shared>> -> memref<64x128xf32, #tpu.memory_space<vmem_shared>>
      %dma_wait3A_55 = arith.constant 0 : i32
      %dma_wait3A_56 = tpu.memref_slice %arg7[%add3A_14, %dma_wait3A_55] : memref<10112x128xf32, #tpu.memory_space<vmem_shared>> -> memref<64x128xf32, #tpu.memory_space<vmem_shared>>
      %dma_wait3A_57 = arith.constant 0 : i32
      %dma_wait3A_58 = arith.constant 0 : i32
      %dma_wait3A_59 = tpu.memref_slice %arg6[%dma_wait3A_57, %dma_wait3A_58] : memref<64x128xf32, #tpu.memory_space<vmem>> -> memref<64x128xf32, #tpu.memory_space<vmem>>
      tpu.wait_dma2 semaphore(%run_scoped3A : memref<!tpu.dma_semaphore, #tpu.memory_space<semaphore_mem>>) src(%dma_wait3A_59 : memref<64x128xf32, #tpu.memory_space<vmem>>) dst(%dma_wait3A_56 : memref<64x128xf32, #tpu.memory_space<vmem_shared>>)
      tpu.yield
    }) : () -> ()
    %add3A_15 = arith.constant 320 : i32
    %add3A_16 = arith.addi %multiple_of3A, %add3A_15 : i32
    "tpu.region"() ({
      %run_scoped3A = tpu.sem_alloc : memref<!tpu.dma_semaphore, #tpu.memory_space<semaphore_mem>>
      %dma_start3A = arith.constant 0 : i32
      %dma_start3A_42 = arith.constant 0 : i32
      %dma_start3A_43 = tpu.memref_slice %arg6[%dma_start3A, %dma_start3A_42] : memref<64x128xf32, #tpu.memory_space<vmem>> -> memref<64x128xf32, #tpu.memory_space<vmem>>
      %dma_start3A_44 = arith.constant 0 : i32
      %dma_start3A_45 = tpu.memref_slice %arg7[%add3A_16, %dma_start3A_44] : memref<10112x128xf32, #tpu.memory_space<vmem_shared>> -> memref<64x128xf32, #tpu.memory_space<vmem_shared>>
      %dma_start3A_46 = arith.constant 0 : i32
      %dma_start3A_47 = tpu.memref_slice %arg7[%add3A_16, %dma_start3A_46] : memref<10112x128xf32, #tpu.memory_space<vmem_shared>> -> memref<64x128xf32, #tpu.memory_space<vmem_shared>>
      %dma_start3A_48 = arith.constant 0 : i32
      %dma_start3A_49 = arith.constant 0 : i32
      %dma_start3A_50 = tpu.memref_slice %arg6[%dma_start3A_48, %dma_start3A_49] : memref<64x128xf32, #tpu.memory_space<vmem>> -> memref<64x128xf32, #tpu.memory_space<vmem>>
      tpu.enqueue_dma source(%dma_start3A_50 : memref<64x128xf32, #tpu.memory_space<vmem>>) target(%dma_start3A_47 : memref<64x128xf32, #tpu.memory_space<vmem_shared>>) target_semaphore(%run_scoped3A : memref<!tpu.dma_semaphore, #tpu.memory_space<semaphore_mem>>)
      %dma_wait3A = arith.constant 0 : i32
      %dma_wait3A_51 = arith.constant 0 : i32
      %dma_wait3A_52 = tpu.memref_slice %arg6[%dma_wait3A, %dma_wait3A_51] : memref<64x128xf32, #tpu.memory_space<vmem>> -> memref<64x128xf32, #tpu.memory_space<vmem>>
      %dma_wait3A_53 = arith.constant 0 : i32
      %dma_wait3A_54 = tpu.memref_slice %arg7[%add3A_16, %dma_wait3A_53] : memref<10112x128xf32, #tpu.memory_space<vmem_shared>> -> memref<64x128xf32, #tpu.memory_space<vmem_shared>>
      %dma_wait3A_55 = arith.constant 0 : i32
      %dma_wait3A_56 = tpu.memref_slice %arg7[%add3A_16, %dma_wait3A_55] : memref<10112x128xf32, #tpu.memory_space<vmem_shared>> -> memref<64x128xf32, #tpu.memory_space<vmem_shared>>
      %dma_wait3A_57 = arith.constant 0 : i32
      %dma_wait3A_58 = arith.constant 0 : i32
      %dma_wait3A_59 = tpu.memref_slice %arg6[%dma_wait3A_57, %dma_wait3A_58] : memref<64x128xf32, #tpu.memory_space<vmem>> -> memref<64x128xf32, #tpu.memory_space<vmem>>
      tpu.wait_dma2 semaphore(%run_scoped3A : memref<!tpu.dma_semaphore, #tpu.memory_space<semaphore_mem>>) src(%dma_wait3A_59 : memref<64x128xf32, #tpu.memory_space<vmem>>) dst(%dma_wait3A_56 : memref<64x128xf32, #tpu.memory_space<vmem_shared>>)
      tpu.yield
    }) : () -> ()
    %add3A_17 = arith.constant 384 : i32
    %add3A_18 = arith.addi %multiple_of3A, %add3A_17 : i32
    "tpu.region"() ({
      %run_scoped3A = tpu.sem_alloc : memref<!tpu.dma_semaphore, #tpu.memory_space<semaphore_mem>>
      %dma_start3A = arith.constant 0 : i32
      %dma_start3A_42 = arith.constant 0 : i32
      %dma_start3A_43 = tpu.memref_slice %arg6[%dma_start3A, %dma_start3A_42] : memref<64x128xf32, #tpu.memory_space<vmem>> -> memref<64x128xf32, #tpu.memory_space<vmem>>
      %dma_start3A_44 = arith.constant 0 : i32
      %dma_start3A_45 = tpu.memref_slice %arg7[%add3A_18, %dma_start3A_44] : memref<10112x128xf32, #tpu.memory_space<vmem_shared>> -> memref<64x128xf32, #tpu.memory_space<vmem_shared>>
      %dma_start3A_46 = arith.constant 0 : i32
      %dma_start3A_47 = tpu.memref_slice %arg7[%add3A_18, %dma_start3A_46] : memref<10112x128xf32, #tpu.memory_space<vmem_shared>> -> memref<64x128xf32, #tpu.memory_space<vmem_shared>>
      %dma_start3A_48 = arith.constant 0 : i32
      %dma_start3A_49 = arith.constant 0 : i32
      %dma_start3A_50 = tpu.memref_slice %arg6[%dma_start3A_48, %dma_start3A_49] : memref<64x128xf32, #tpu.memory_space<vmem>> -> memref<64x128xf32, #tpu.memory_space<vmem>>
      tpu.enqueue_dma source(%dma_start3A_50 : memref<64x128xf32, #tpu.memory_space<vmem>>) target(%dma_start3A_47 : memref<64x128xf32, #tpu.memory_space<vmem_shared>>) target_semaphore(%run_scoped3A : memref<!tpu.dma_semaphore, #tpu.memory_space<semaphore_mem>>)
      %dma_wait3A = arith.constant 0 : i32
      %dma_wait3A_51 = arith.constant 0 : i32
      %dma_wait3A_52 = tpu.memref_slice %arg6[%dma_wait3A, %dma_wait3A_51] : memref<64x128xf32, #tpu.memory_space<vmem>> -> memref<64x128xf32, #tpu.memory_space<vmem>>
      %dma_wait3A_53 = arith.constant 0 : i32
      %dma_wait3A_54 = tpu.memref_slice %arg7[%add3A_18, %dma_wait3A_53] : memref<10112x128xf32, #tpu.memory_space<vmem_shared>> -> memref<64x128xf32, #tpu.memory_space<vmem_shared>>
      %dma_wait3A_55 = arith.constant 0 : i32
      %dma_wait3A_56 = tpu.memref_slice %arg7[%add3A_18, %dma_wait3A_55] : memref<10112x128xf32, #tpu.memory_space<vmem_shared>> -> memref<64x128xf32, #tpu.memory_space<vmem_shared>>
      %dma_wait3A_57 = arith.constant 0 : i32
      %dma_wait3A_58 = arith.constant 0 : i32
      %dma_wait3A_59 = tpu.memref_slice %arg6[%dma_wait3A_57, %dma_wait3A_58] : memref<64x128xf32, #tpu.memory_space<vmem>> -> memref<64x128xf32, #tpu.memory_space<vmem>>
      tpu.wait_dma2 semaphore(%run_scoped3A : memref<!tpu.dma_semaphore, #tpu.memory_space<semaphore_mem>>) src(%dma_wait3A_59 : memref<64x128xf32, #tpu.memory_space<vmem>>) dst(%dma_wait3A_56 : memref<64x128xf32, #tpu.memory_space<vmem_shared>>)
      tpu.yield
    }) : () -> ()
    %add3A_19 = arith.constant 448 : i32
    %add3A_20 = arith.addi %multiple_of3A, %add3A_19 : i32
    "tpu.region"() ({
      %run_scoped3A = tpu.sem_alloc : memref<!tpu.dma_semaphore, #tpu.memory_space<semaphore_mem>>
      %dma_start3A = arith.constant 0 : i32
      %dma_start3A_42 = arith.constant 0 : i32
      %dma_start3A_43 = tpu.memref_slice %arg6[%dma_start3A, %dma_start3A_42] : memref<64x128xf32, #tpu.memory_space<vmem>> -> memref<64x128xf32, #tpu.memory_space<vmem>>
      %dma_start3A_44 = arith.constant 0 : i32
      %dma_start3A_45 = tpu.memref_slice %arg7[%add3A_20, %dma_start3A_44] : memref<10112x128xf32, #tpu.memory_space<vmem_shared>> -> memref<64x128xf32, #tpu.memory_space<vmem_shared>>
      %dma_start3A_46 = arith.constant 0 : i32
      %dma_start3A_47 = tpu.memref_slice %arg7[%add3A_20, %dma_start3A_46] : memref<10112x128xf32, #tpu.memory_space<vmem_shared>> -> memref<64x128xf32, #tpu.memory_space<vmem_shared>>
      %dma_start3A_48 = arith.constant 0 : i32
      %dma_start3A_49 = arith.constant 0 : i32
      %dma_start3A_50 = tpu.memref_slice %arg6[%dma_start3A_48, %dma_start3A_49] : memref<64x128xf32, #tpu.memory_space<vmem>> -> memref<64x128xf32, #tpu.memory_space<vmem>>
      tpu.enqueue_dma source(%dma_start3A_50 : memref<64x128xf32, #tpu.memory_space<vmem>>) target(%dma_start3A_47 : memref<64x128xf32, #tpu.memory_space<vmem_shared>>) target_semaphore(%run_scoped3A : memref<!tpu.dma_semaphore, #tpu.memory_space<semaphore_mem>>)
      %dma_wait3A = arith.constant 0 : i32
      %dma_wait3A_51 = arith.constant 0 : i32
      %dma_wait3A_52 = tpu.memref_slice %arg6[%dma_wait3A, %dma_wait3A_51] : memref<64x128xf32, #tpu.memory_space<vmem>> -> memref<64x128xf32, #tpu.memory_space<vmem>>
      %dma_wait3A_53 = arith.constant 0 : i32
      %dma_wait3A_54 = tpu.memref_slice %arg7[%add3A_20, %dma_wait3A_53] : memref<10112x128xf32, #tpu.memory_space<vmem_shared>> -> memref<64x128xf32, #tpu.memory_space<vmem_shared>>
      %dma_wait3A_55 = arith.constant 0 : i32
      %dma_wait3A_56 = tpu.memref_slice %arg7[%add3A_20, %dma_wait3A_55] : memref<10112x128xf32, #tpu.memory_space<vmem_shared>> -> memref<64x128xf32, #tpu.memory_space<vmem_shared>>
      %dma_wait3A_57 = arith.constant 0 : i32
      %dma_wait3A_58 = arith.constant 0 : i32
      %dma_wait3A_59 = tpu.memref_slice %arg6[%dma_wait3A_57, %dma_wait3A_58] : memref<64x128xf32, #tpu.memory_space<vmem>> -> memref<64x128xf32, #tpu.memory_space<vmem>>
      tpu.wait_dma2 semaphore(%run_scoped3A : memref<!tpu.dma_semaphore, #tpu.memory_space<semaphore_mem>>) src(%dma_wait3A_59 : memref<64x128xf32, #tpu.memory_space<vmem>>) dst(%dma_wait3A_56 : memref<64x128xf32, #tpu.memory_space<vmem_shared>>)
      tpu.yield
    }) : () -> ()
    %add3A_21 = arith.constant 512 : i32
    %add3A_22 = arith.addi %multiple_of3A, %add3A_21 : i32
    "tpu.region"() ({
      %run_scoped3A = tpu.sem_alloc : memref<!tpu.dma_semaphore, #tpu.memory_space<semaphore_mem>>
      %dma_start3A = arith.constant 0 : i32
      %dma_start3A_42 = arith.constant 0 : i32
      %dma_start3A_43 = tpu.memref_slice %arg6[%dma_start3A, %dma_start3A_42] : memref<64x128xf32, #tpu.memory_space<vmem>> -> memref<64x128xf32, #tpu.memory_space<vmem>>
      %dma_start3A_44 = arith.constant 0 : i32
      %dma_start3A_45 = tpu.memref_slice %arg7[%add3A_22, %dma_start3A_44] : memref<10112x128xf32, #tpu.memory_space<vmem_shared>> -> memref<64x128xf32, #tpu.memory_space<vmem_shared>>
      %dma_start3A_46 = arith.constant 0 : i32
      %dma_start3A_47 = tpu.memref_slice %arg7[%add3A_22, %dma_start3A_46] : memref<10112x128xf32, #tpu.memory_space<vmem_shared>> -> memref<64x128xf32, #tpu.memory_space<vmem_shared>>
      %dma_start3A_48 = arith.constant 0 : i32
      %dma_start3A_49 = arith.constant 0 : i32
      %dma_start3A_50 = tpu.memref_slice %arg6[%dma_start3A_48, %dma_start3A_49] : memref<64x128xf32, #tpu.memory_space<vmem>> -> memref<64x128xf32, #tpu.memory_space<vmem>>
      tpu.enqueue_dma source(%dma_start3A_50 : memref<64x128xf32, #tpu.memory_space<vmem>>) target(%dma_start3A_47 : memref<64x128xf32, #tpu.memory_space<vmem_shared>>) target_semaphore(%run_scoped3A : memref<!tpu.dma_semaphore, #tpu.memory_space<semaphore_mem>>)
      %dma_wait3A = arith.constant 0 : i32
      %dma_wait3A_51 = arith.constant 0 : i32
      %dma_wait3A_52 = tpu.memref_slice %arg6[%dma_wait3A, %dma_wait3A_51] : memref<64x128xf32, #tpu.memory_space<vmem>> -> memref<64x128xf32, #tpu.memory_space<vmem>>
      %dma_wait3A_53 = arith.constant 0 : i32
      %dma_wait3A_54 = tpu.memref_slice %arg7[%add3A_22, %dma_wait3A_53] : memref<10112x128xf32, #tpu.memory_space<vmem_shared>> -> memref<64x128xf32, #tpu.memory_space<vmem_shared>>
      %dma_wait3A_55 = arith.constant 0 : i32
      %dma_wait3A_56 = tpu.memref_slice %arg7[%add3A_22, %dma_wait3A_55] : memref<10112x128xf32, #tpu.memory_space<vmem_shared>> -> memref<64x128xf32, #tpu.memory_space<vmem_shared>>
      %dma_wait3A_57 = arith.constant 0 : i32
      %dma_wait3A_58 = arith.constant 0 : i32
      %dma_wait3A_59 = tpu.memref_slice %arg6[%dma_wait3A_57, %dma_wait3A_58] : memref<64x128xf32, #tpu.memory_space<vmem>> -> memref<64x128xf32, #tpu.memory_space<vmem>>
      tpu.wait_dma2 semaphore(%run_scoped3A : memref<!tpu.dma_semaphore, #tpu.memory_space<semaphore_mem>>) src(%dma_wait3A_59 : memref<64x128xf32, #tpu.memory_space<vmem>>) dst(%dma_wait3A_56 : memref<64x128xf32, #tpu.memory_space<vmem_shared>>)
      tpu.yield
    }) : () -> ()
    %add3A_23 = arith.constant 576 : i32
    %add3A_24 = arith.addi %multiple_of3A, %add3A_23 : i32
    "tpu.region"() ({
      %run_scoped3A = tpu.sem_alloc : memref<!tpu.dma_semaphore, #tpu.memory_space<semaphore_mem>>
      %dma_start3A = arith.constant 0 : i32
      %dma_start3A_42 = arith.constant 0 : i32
      %dma_start3A_43 = tpu.memref_slice %arg6[%dma_start3A, %dma_start3A_42] : memref<64x128xf32, #tpu.memory_space<vmem>> -> memref<56x128xf32, #tpu.memory_space<vmem>>
      %dma_start3A_44 = arith.constant 0 : i32
      %dma_start3A_45 = tpu.memref_slice %arg7[%add3A_24, %dma_start3A_44] : memref<10112x128xf32, #tpu.memory_space<vmem_shared>> -> memref<56x128xf32, #tpu.memory_space<vmem_shared>>
      %dma_start3A_46 = arith.constant 0 : i32
      %dma_start3A_47 = tpu.memref_slice %arg7[%add3A_24, %dma_start3A_46] : memref<10112x128xf32, #tpu.memory_space<vmem_shared>> -> memref<56x128xf32, #tpu.memory_space<vmem_shared>>
      %dma_start3A_48 = arith.constant 0 : i32
      %dma_start3A_49 = arith.constant 0 : i32
      %dma_start3A_50 = tpu.memref_slice %arg6[%dma_start3A_48, %dma_start3A_49] : memref<64x128xf32, #tpu.memory_space<vmem>> -> memref<56x128xf32, #tpu.memory_space<vmem>>
      tpu.enqueue_dma source(%dma_start3A_50 : memref<56x128xf32, #tpu.memory_space<vmem>>) target(%dma_start3A_47 : memref<56x128xf32, #tpu.memory_space<vmem_shared>>) target_semaphore(%run_scoped3A : memref<!tpu.dma_semaphore, #tpu.memory_space<semaphore_mem>>)
      %dma_wait3A = arith.constant 0 : i32
      %dma_wait3A_51 = arith.constant 0 : i32
      %dma_wait3A_52 = tpu.memref_slice %arg6[%dma_wait3A, %dma_wait3A_51] : memref<64x128xf32, #tpu.memory_space<vmem>> -> memref<56x128xf32, #tpu.memory_space<vmem>>
      %dma_wait3A_53 = arith.constant 0 : i32
      %dma_wait3A_54 = tpu.memref_slice %arg7[%add3A_24, %dma_wait3A_53] : memref<10112x128xf32, #tpu.memory_space<vmem_shared>> -> memref<56x128xf32, #tpu.memory_space<vmem_shared>>
      %dma_wait3A_55 = arith.constant 0 : i32
      %dma_wait3A_56 = tpu.memref_slice %arg7[%add3A_24, %dma_wait3A_55] : memref<10112x128xf32, #tpu.memory_space<vmem_shared>> -> memref<56x128xf32, #tpu.memory_space<vmem_shared>>
      %dma_wait3A_57 = arith.constant 0 : i32
      %dma_wait3A_58 = arith.constant 0 : i32
      %dma_wait3A_59 = tpu.memref_slice %arg6[%dma_wait3A_57, %dma_wait3A_58] : memref<64x128xf32, #tpu.memory_space<vmem>> -> memref<56x128xf32, #tpu.memory_space<vmem>>
      tpu.wait_dma2 semaphore(%run_scoped3A : memref<!tpu.dma_semaphore, #tpu.memory_space<semaphore_mem>>) src(%dma_wait3A_59 : memref<56x128xf32, #tpu.memory_space<vmem>>) dst(%dma_wait3A_56 : memref<56x128xf32, #tpu.memory_space<vmem_shared>>)
      tpu.yield
    }) : () -> ()
    %barrier3A = arith.constant 0 : index
    tpu.barrier barrier_id(%barrier3A)
    %mul3A_25 = arith.constant 16 : i32
    %mul3A_26 = arith.muli %arg0, %mul3A_25 : i32
    %add3A_27 = arith.addi %mul3A_26, %arg1 : i32
    %mul3A_28 = arith.constant 10048 : i32
    %mul3A_29 = arith.muli %add3A_27, %mul3A_28 : i32
    %multiple_of3A_30 = tpu.assume_multiple %mul3A_29, 8 : i32
    %scan3A_31 = arith.constant 0 : i32
    %scan3A_32 = arith.constant 0 : i32
    %scan3A_33 = arith.constant 157 : i32
    %scan3A_34 = arith.addi %scan3A_32, %scan3A_33 : i32
    %scan3A_35 = arith.constant 1 : i32
    scf.for %scan3A_42 = %scan3A_32 to %scan3A_34 step %scan3A_35  : i32 {
      %mul3A_43 = arith.constant 64 : i32
      %mul3A_44 = arith.muli %scan3A_42, %mul3A_43 : i32
      %add3A_45 = arith.addi %multiple_of3A_30, %mul3A_44 : i32
      %multiple_of3A_46 = tpu.assume_multiple %add3A_45, 8 : i32
      "tpu.region"() ({
        %run_scoped3A = tpu.sem_alloc : memref<!tpu.dma_semaphore, #tpu.memory_space<semaphore_mem>>
        %dma_start3A = tpu.memref_slice %arg2[%multiple_of3A_46] : memref<321536xi32, #tpu.memory_space<hbm>> -> memref<64xi32, #tpu.memory_space<hbm>>
        %dma_start3A_47 = tpu.memref_slice %arg2[%multiple_of3A_46] : memref<321536xi32, #tpu.memory_space<hbm>> -> memref<64xi32, #tpu.memory_space<hbm>>
        tpu.enqueue_dma source(%dma_start3A_47 : memref<64xi32, #tpu.memory_space<hbm>>) target(%arg4 : memref<64xi32, #tpu.memory_space<vmem>>) target_semaphore(%run_scoped3A : memref<!tpu.dma_semaphore, #tpu.memory_space<semaphore_mem>>)
        %dma_wait3A = tpu.memref_slice %arg2[%multiple_of3A_46] : memref<321536xi32, #tpu.memory_space<hbm>> -> memref<64xi32, #tpu.memory_space<hbm>>
        %dma_wait3A_48 = tpu.memref_slice %arg2[%multiple_of3A_46] : memref<321536xi32, #tpu.memory_space<hbm>> -> memref<64xi32, #tpu.memory_space<hbm>>
        tpu.wait_dma2 semaphore(%run_scoped3A : memref<!tpu.dma_semaphore, #tpu.memory_space<semaphore_mem>>) src(%dma_wait3A_48 : memref<64xi32, #tpu.memory_space<hbm>>) dst(%arg4 : memref<64xi32, #tpu.memory_space<vmem>>)
        tpu.yield
      }) : () -> ()
      "tpu.region"() ({
        %run_scoped3A = tpu.sem_alloc : memref<!tpu.dma_semaphore, #tpu.memory_space<semaphore_mem>>
        %dma_start3A = arith.constant 0 : i32
        %dma_start3A_47 = arith.constant 0 : i32
        %dma_start3A_48 = tpu.memref_slice %arg7[%dma_start3A, %dma_start3A_47] : memref<10112x128xf32, #tpu.memory_space<vmem_shared>> -> memref<10112x128xf32, #tpu.memory_space<vmem_shared>>
        tpu.enqueue_indirect_dma source(%arg5 : memref<64x128xf32, #tpu.memory_space<vmem>>) target(%dma_start3A_48 : memref<10112x128xf32, #tpu.memory_space<vmem_shared>>) offsets(%arg4 : memref<64xi32, #tpu.memory_space<vmem>>) semaphore(%run_scoped3A : memref<!tpu.dma_semaphore, #tpu.memory_space<semaphore_mem>>) {add = true}
        %dma_wait3A = arith.constant 0 : i32
        %dma_wait3A_49 = arith.constant 0 : i32
        %dma_wait3A_50 = tpu.memref_slice %arg7[%dma_wait3A, %dma_wait3A_49] : memref<10112x128xf32, #tpu.memory_space<vmem_shared>> -> memref<10112x128xf32, #tpu.memory_space<vmem_shared>>
        tpu.wait_indirect_dma semaphore(%run_scoped3A : memref<!tpu.dma_semaphore, #tpu.memory_space<semaphore_mem>>) src(%arg5 : memref<64x128xf32, #tpu.memory_space<vmem>>) dst(%dma_wait3A_50 : memref<10112x128xf32, #tpu.memory_space<vmem_shared>>)
        tpu.yield
      }) : () -> ()
    }
    %scan3A_36 = arith.constant 157 : i32
    %barrier3A_37 = arith.constant 0 : index
    tpu.barrier barrier_id(%barrier3A_37)
    %mul3A_38 = arith.constant 10112 : i32
    %mul3A_39 = arith.muli %arg0, %mul3A_38 : i32
    %add3A_40 = arith.addi %mul3A_39, %multiple_of3A : i32
    %multiple_of3A_41 = tpu.assume_multiple %add3A_40, 632 : i32
    "tpu.region"() ({
      %run_scoped3A = tpu.sem_alloc : memref<!tpu.dma_semaphore, #tpu.memory_space<semaphore_mem>>
      %dma_start3A = arith.constant 0 : i32
      %dma_start3A_42 = tpu.memref_slice %arg3[%multiple_of3A_41, %dma_start3A] : memref<20224x128xf32, #tpu.memory_space<hbm>> -> memref<632x128xf32, #tpu.memory_space<hbm>>
      %dma_start3A_43 = arith.constant 0 : i32
      %dma_start3A_44 = tpu.memref_slice %arg7[%multiple_of3A, %dma_start3A_43] : memref<10112x128xf32, #tpu.memory_space<vmem_shared>> -> memref<632x128xf32, #tpu.memory_space<vmem_shared>>
      tpu.enqueue_dma source(%dma_start3A_44 : memref<632x128xf32, #tpu.memory_space<vmem_shared>>) target(%dma_start3A_42 : memref<632x128xf32, #tpu.memory_space<hbm>>) target_semaphore(%run_scoped3A : memref<!tpu.dma_semaphore, #tpu.memory_space<semaphore_mem>>)
      %dma_wait3A = arith.constant 0 : i32
      %dma_wait3A_45 = tpu.memref_slice %arg3[%multiple_of3A_41, %dma_wait3A] : memref<20224x128xf32, #tpu.memory_space<hbm>> -> memref<632x128xf32, #tpu.memory_space<hbm>>
      %dma_wait3A_46 = arith.constant 0 : i32
      %dma_wait3A_47 = tpu.memref_slice %arg7[%multiple_of3A, %dma_wait3A_46] : memref<10112x128xf32, #tpu.memory_space<vmem_shared>> -> memref<632x128xf32, #tpu.memory_space<vmem_shared>>
      tpu.wait_dma2 semaphore(%run_scoped3A : memref<!tpu.dma_semaphore, #tpu.memory_space<semaphore_mem>>) src(%dma_wait3A_47 : memref<632x128xf32, #tpu.memory_space<vmem_shared>>) dst(%dma_wait3A_45 : memref<632x128xf32, #tpu.memory_space<hbm>>)
      tpu.yield
    }) : () -> ()
    return
  }
}

#map = affine_map<(d0, d1) -> (0)>
#map1 = affine_map<(d0, d1) -> (0, 0)>
module attributes {stable_mosaic.version = 14 : i64} {
  func.func @_sc_agg_body(%arg0: i32, %arg1: i32, %arg2: memref<643072xi32, #tpu.memory_space<hbm>>, %arg3: memref<643072xi32, #tpu.memory_space<hbm>>, %arg4: memref<10312x128xf32, #tpu.memory_space<hbm>>, %arg5: memref<20224x128xf32, #tpu.memory_space<hbm>>, %arg6: memref<128xi32, #tpu.memory_space<vmem>>, %arg7: memref<128xi32, #tpu.memory_space<vmem>>, %arg8: memref<128x128xf32, #tpu.memory_space<vmem>>, %arg9: memref<10112x128xf32, #tpu.memory_space<vmem_shared>>, %arg10: memref<!tpu.dma_semaphore, #tpu.memory_space<semaphore_mem>>) attributes {dimension_semantics = [#tpu.dimension_semantics<core_parallel>, #tpu.dimension_semantics<subcore_parallel>], iteration_bounds = array<i64: 2, 16>, scalar_prefetch = 0 : i64, scratch_operands = 5 : i64, tpu.core_type = #tpu.core_type<sc_vector_subcore>, window_params = [{transform_indices = #map}, {transform_indices = #map}, {transform_indices = #map1}, {transform_indices = #map1}]} {
    %scan3A = arith.constant 0 : i32
    %scan3A_0 = arith.constant 0 : i32
    %scan3A_1 = arith.constant 128 : i32
    %scan3A_2 = arith.addi %scan3A_0, %scan3A_1 : i32
    %scan3A_3 = arith.constant 1 : i32
    scf.for %scan3A_32 = %scan3A_0 to %scan3A_2 step %scan3A_3  : i32 {
      %broadcast_in_dim3A = arith.constant 0.000000e+00 : f32
      %broadcast_in_dim3A_33 = vector.broadcast %broadcast_in_dim3A : f32 to vector<16xf32>
      %swap3A = arith.index_cast %scan3A_32 : i32 to index
      %swap3A_34 = arith.constant 0 : index
      %swap3A_35 = tpu.vector_load %arg8[%swap3A, %swap3A_34] {strides = array<i32>} : memref<128x128xf32, #tpu.memory_space<vmem>>, vector<1x16xf32>,
      %swap3A_36 = vector.shape_cast %swap3A_35 : vector<1x16xf32> to vector<16xf32>
      %swap3A_37 = vector.shape_cast %broadcast_in_dim3A_33 : vector<16xf32> to vector<1x16xf32>
      tpu.vector_store %arg8[%swap3A, %swap3A_34], %swap3A_37 {strides = array<i32>} : memref<128x128xf32, #tpu.memory_space<vmem>>, vector<1x16xf32>,
      %broadcast_in_dim3A_38 = arith.constant 0.000000e+00 : f32
      %broadcast_in_dim3A_39 = vector.broadcast %broadcast_in_dim3A_38 : f32 to vector<16xf32>
      %swap3A_40 = arith.index_cast %scan3A_32 : i32 to index
      %swap3A_41 = arith.constant 16 : index
      %swap3A_42 = tpu.vector_load %arg8[%swap3A_40, %swap3A_41] {strides = array<i32>} : memref<128x128xf32, #tpu.memory_space<vmem>>, vector<1x16xf32>,
      %swap3A_43 = vector.shape_cast %swap3A_42 : vector<1x16xf32> to vector<16xf32>
      %swap3A_44 = vector.shape_cast %broadcast_in_dim3A_39 : vector<16xf32> to vector<1x16xf32>
      tpu.vector_store %arg8[%swap3A_40, %swap3A_41], %swap3A_44 {strides = array<i32>} : memref<128x128xf32, #tpu.memory_space<vmem>>, vector<1x16xf32>,
      %broadcast_in_dim3A_45 = arith.constant 0.000000e+00 : f32
      %broadcast_in_dim3A_46 = vector.broadcast %broadcast_in_dim3A_45 : f32 to vector<16xf32>
      %swap3A_47 = arith.index_cast %scan3A_32 : i32 to index
      %swap3A_48 = arith.constant 32 : index
      %swap3A_49 = tpu.vector_load %arg8[%swap3A_47, %swap3A_48] {strides = array<i32>} : memref<128x128xf32, #tpu.memory_space<vmem>>, vector<1x16xf32>,
      %swap3A_50 = vector.shape_cast %swap3A_49 : vector<1x16xf32> to vector<16xf32>
      %swap3A_51 = vector.shape_cast %broadcast_in_dim3A_46 : vector<16xf32> to vector<1x16xf32>
      tpu.vector_store %arg8[%swap3A_47, %swap3A_48], %swap3A_51 {strides = array<i32>} : memref<128x128xf32, #tpu.memory_space<vmem>>, vector<1x16xf32>,
      %broadcast_in_dim3A_52 = arith.constant 0.000000e+00 : f32
      %broadcast_in_dim3A_53 = vector.broadcast %broadcast_in_dim3A_52 : f32 to vector<16xf32>
      %swap3A_54 = arith.index_cast %scan3A_32 : i32 to index
      %swap3A_55 = arith.constant 48 : index
      %swap3A_56 = tpu.vector_load %arg8[%swap3A_54, %swap3A_55] {strides = array<i32>} : memref<128x128xf32, #tpu.memory_space<vmem>>, vector<1x16xf32>,
      %swap3A_57 = vector.shape_cast %swap3A_56 : vector<1x16xf32> to vector<16xf32>
      %swap3A_58 = vector.shape_cast %broadcast_in_dim3A_53 : vector<16xf32> to vector<1x16xf32>
      tpu.vector_store %arg8[%swap3A_54, %swap3A_55], %swap3A_58 {strides = array<i32>} : memref<128x128xf32, #tpu.memory_space<vmem>>, vector<1x16xf32>,
      %broadcast_in_dim3A_59 = arith.constant 0.000000e+00 : f32
      %broadcast_in_dim3A_60 = vector.broadcast %broadcast_in_dim3A_59 : f32 to vector<16xf32>
      %swap3A_61 = arith.index_cast %scan3A_32 : i32 to index
      %swap3A_62 = arith.constant 64 : index
      %swap3A_63 = tpu.vector_load %arg8[%swap3A_61, %swap3A_62] {strides = array<i32>} : memref<128x128xf32, #tpu.memory_space<vmem>>, vector<1x16xf32>,
      %swap3A_64 = vector.shape_cast %swap3A_63 : vector<1x16xf32> to vector<16xf32>
      %swap3A_65 = vector.shape_cast %broadcast_in_dim3A_60 : vector<16xf32> to vector<1x16xf32>
      tpu.vector_store %arg8[%swap3A_61, %swap3A_62], %swap3A_65 {strides = array<i32>} : memref<128x128xf32, #tpu.memory_space<vmem>>, vector<1x16xf32>,
      %broadcast_in_dim3A_66 = arith.constant 0.000000e+00 : f32
      %broadcast_in_dim3A_67 = vector.broadcast %broadcast_in_dim3A_66 : f32 to vector<16xf32>
      %swap3A_68 = arith.index_cast %scan3A_32 : i32 to index
      %swap3A_69 = arith.constant 80 : index
      %swap3A_70 = tpu.vector_load %arg8[%swap3A_68, %swap3A_69] {strides = array<i32>} : memref<128x128xf32, #tpu.memory_space<vmem>>, vector<1x16xf32>,
      %swap3A_71 = vector.shape_cast %swap3A_70 : vector<1x16xf32> to vector<16xf32>
      %swap3A_72 = vector.shape_cast %broadcast_in_dim3A_67 : vector<16xf32> to vector<1x16xf32>
      tpu.vector_store %arg8[%swap3A_68, %swap3A_69], %swap3A_72 {strides = array<i32>} : memref<128x128xf32, #tpu.memory_space<vmem>>, vector<1x16xf32>,
      %broadcast_in_dim3A_73 = arith.constant 0.000000e+00 : f32
      %broadcast_in_dim3A_74 = vector.broadcast %broadcast_in_dim3A_73 : f32 to vector<16xf32>
      %swap3A_75 = arith.index_cast %scan3A_32 : i32 to index
      %swap3A_76 = arith.constant 96 : index
      %swap3A_77 = tpu.vector_load %arg8[%swap3A_75, %swap3A_76] {strides = array<i32>} : memref<128x128xf32, #tpu.memory_space<vmem>>, vector<1x16xf32>,
      %swap3A_78 = vector.shape_cast %swap3A_77 : vector<1x16xf32> to vector<16xf32>
      %swap3A_79 = vector.shape_cast %broadcast_in_dim3A_74 : vector<16xf32> to vector<1x16xf32>
      tpu.vector_store %arg8[%swap3A_75, %swap3A_76], %swap3A_79 {strides = array<i32>} : memref<128x128xf32, #tpu.memory_space<vmem>>, vector<1x16xf32>,
      %broadcast_in_dim3A_80 = arith.constant 0.000000e+00 : f32
      %broadcast_in_dim3A_81 = vector.broadcast %broadcast_in_dim3A_80 : f32 to vector<16xf32>
      %swap3A_82 = arith.index_cast %scan3A_32 : i32 to index
      %swap3A_83 = arith.constant 112 : index
      %swap3A_84 = tpu.vector_load %arg8[%swap3A_82, %swap3A_83] {strides = array<i32>} : memref<128x128xf32, #tpu.memory_space<vmem>>, vector<1x16xf32>,
      %swap3A_85 = vector.shape_cast %swap3A_84 : vector<1x16xf32> to vector<16xf32>
      %swap3A_86 = vector.shape_cast %broadcast_in_dim3A_81 : vector<16xf32> to vector<1x16xf32>
      tpu.vector_store %arg8[%swap3A_82, %swap3A_83], %swap3A_86 {strides = array<i32>} : memref<128x128xf32, #tpu.memory_space<vmem>>, vector<1x16xf32>,
    }
    %scan3A_4 = arith.constant 128 : i32
    %mul3A = arith.constant 632 : i32
    %mul3A_5 = arith.muli %arg1, %mul3A : i32
    %multiple_of3A = tpu.assume_multiple %mul3A_5, 632 : i32
    %add3A = arith.constant 0 : i32
    %add3A_6 = arith.addi %multiple_of3A, %add3A : i32
    "tpu.region"() ({
      %run_scoped3A = tpu.sem_alloc : memref<!tpu.dma_semaphore, #tpu.memory_space<semaphore_mem>>
      %dma_start3A = arith.constant 0 : i32
      %dma_start3A_32 = arith.constant 0 : i32
      %dma_start3A_33 = tpu.memref_slice %arg8[%dma_start3A, %dma_start3A_32] : memref<128x128xf32, #tpu.memory_space<vmem>> -> memref<128x128xf32, #tpu.memory_space<vmem>>
      %dma_start3A_34 = arith.constant 0 : i32
      %dma_start3A_35 = tpu.memref_slice %arg9[%add3A_6, %dma_start3A_34] : memref<10112x128xf32, #tpu.memory_space<vmem_shared>> -> memref<128x128xf32, #tpu.memory_space<vmem_shared>>
      %dma_start3A_36 = arith.constant 0 : i32
      %dma_start3A_37 = tpu.memref_slice %arg9[%add3A_6, %dma_start3A_36] : memref<10112x128xf32, #tpu.memory_space<vmem_shared>> -> memref<128x128xf32, #tpu.memory_space<vmem_shared>>
      %dma_start3A_38 = arith.constant 0 : i32
      %dma_start3A_39 = arith.constant 0 : i32
      %dma_start3A_40 = tpu.memref_slice %arg8[%dma_start3A_38, %dma_start3A_39] : memref<128x128xf32, #tpu.memory_space<vmem>> -> memref<128x128xf32, #tpu.memory_space<vmem>>
      tpu.enqueue_dma source(%dma_start3A_40 : memref<128x128xf32, #tpu.memory_space<vmem>>) target(%dma_start3A_37 : memref<128x128xf32, #tpu.memory_space<vmem_shared>>) target_semaphore(%run_scoped3A : memref<!tpu.dma_semaphore, #tpu.memory_space<semaphore_mem>>)
      %dma_wait3A = arith.constant 0 : i32
      %dma_wait3A_41 = arith.constant 0 : i32
      %dma_wait3A_42 = tpu.memref_slice %arg8[%dma_wait3A, %dma_wait3A_41] : memref<128x128xf32, #tpu.memory_space<vmem>> -> memref<128x128xf32, #tpu.memory_space<vmem>>
      %dma_wait3A_43 = arith.constant 0 : i32
      %dma_wait3A_44 = tpu.memref_slice %arg9[%add3A_6, %dma_wait3A_43] : memref<10112x128xf32, #tpu.memory_space<vmem_shared>> -> memref<128x128xf32, #tpu.memory_space<vmem_shared>>
      %dma_wait3A_45 = arith.constant 0 : i32
      %dma_wait3A_46 = tpu.memref_slice %arg9[%add3A_6, %dma_wait3A_45] : memref<10112x128xf32, #tpu.memory_space<vmem_shared>> -> memref<128x128xf32, #tpu.memory_space<vmem_shared>>
      %dma_wait3A_47 = arith.constant 0 : i32
      %dma_wait3A_48 = arith.constant 0 : i32
      %dma_wait3A_49 = tpu.memref_slice %arg8[%dma_wait3A_47, %dma_wait3A_48] : memref<128x128xf32, #tpu.memory_space<vmem>> -> memref<128x128xf32, #tpu.memory_space<vmem>>
      tpu.wait_dma2 semaphore(%run_scoped3A : memref<!tpu.dma_semaphore, #tpu.memory_space<semaphore_mem>>) src(%dma_wait3A_49 : memref<128x128xf32, #tpu.memory_space<vmem>>) dst(%dma_wait3A_46 : memref<128x128xf32, #tpu.memory_space<vmem_shared>>)
      tpu.yield
    }) : () -> ()
    %add3A_7 = arith.constant 128 : i32
    %add3A_8 = arith.addi %multiple_of3A, %add3A_7 : i32
    "tpu.region"() ({
      %run_scoped3A = tpu.sem_alloc : memref<!tpu.dma_semaphore, #tpu.memory_space<semaphore_mem>>
      %dma_start3A = arith.constant 0 : i32
      %dma_start3A_32 = arith.constant 0 : i32
      %dma_start3A_33 = tpu.memref_slice %arg8[%dma_start3A, %dma_start3A_32] : memref<128x128xf32, #tpu.memory_space<vmem>> -> memref<128x128xf32, #tpu.memory_space<vmem>>
      %dma_start3A_34 = arith.constant 0 : i32
      %dma_start3A_35 = tpu.memref_slice %arg9[%add3A_8, %dma_start3A_34] : memref<10112x128xf32, #tpu.memory_space<vmem_shared>> -> memref<128x128xf32, #tpu.memory_space<vmem_shared>>
      %dma_start3A_36 = arith.constant 0 : i32
      %dma_start3A_37 = tpu.memref_slice %arg9[%add3A_8, %dma_start3A_36] : memref<10112x128xf32, #tpu.memory_space<vmem_shared>> -> memref<128x128xf32, #tpu.memory_space<vmem_shared>>
      %dma_start3A_38 = arith.constant 0 : i32
      %dma_start3A_39 = arith.constant 0 : i32
      %dma_start3A_40 = tpu.memref_slice %arg8[%dma_start3A_38, %dma_start3A_39] : memref<128x128xf32, #tpu.memory_space<vmem>> -> memref<128x128xf32, #tpu.memory_space<vmem>>
      tpu.enqueue_dma source(%dma_start3A_40 : memref<128x128xf32, #tpu.memory_space<vmem>>) target(%dma_start3A_37 : memref<128x128xf32, #tpu.memory_space<vmem_shared>>) target_semaphore(%run_scoped3A : memref<!tpu.dma_semaphore, #tpu.memory_space<semaphore_mem>>)
      %dma_wait3A = arith.constant 0 : i32
      %dma_wait3A_41 = arith.constant 0 : i32
      %dma_wait3A_42 = tpu.memref_slice %arg8[%dma_wait3A, %dma_wait3A_41] : memref<128x128xf32, #tpu.memory_space<vmem>> -> memref<128x128xf32, #tpu.memory_space<vmem>>
      %dma_wait3A_43 = arith.constant 0 : i32
      %dma_wait3A_44 = tpu.memref_slice %arg9[%add3A_8, %dma_wait3A_43] : memref<10112x128xf32, #tpu.memory_space<vmem_shared>> -> memref<128x128xf32, #tpu.memory_space<vmem_shared>>
      %dma_wait3A_45 = arith.constant 0 : i32
      %dma_wait3A_46 = tpu.memref_slice %arg9[%add3A_8, %dma_wait3A_45] : memref<10112x128xf32, #tpu.memory_space<vmem_shared>> -> memref<128x128xf32, #tpu.memory_space<vmem_shared>>
      %dma_wait3A_47 = arith.constant 0 : i32
      %dma_wait3A_48 = arith.constant 0 : i32
      %dma_wait3A_49 = tpu.memref_slice %arg8[%dma_wait3A_47, %dma_wait3A_48] : memref<128x128xf32, #tpu.memory_space<vmem>> -> memref<128x128xf32, #tpu.memory_space<vmem>>
      tpu.wait_dma2 semaphore(%run_scoped3A : memref<!tpu.dma_semaphore, #tpu.memory_space<semaphore_mem>>) src(%dma_wait3A_49 : memref<128x128xf32, #tpu.memory_space<vmem>>) dst(%dma_wait3A_46 : memref<128x128xf32, #tpu.memory_space<vmem_shared>>)
      tpu.yield
    }) : () -> ()
    %add3A_9 = arith.constant 256 : i32
    %add3A_10 = arith.addi %multiple_of3A, %add3A_9 : i32
    "tpu.region"() ({
      %run_scoped3A = tpu.sem_alloc : memref<!tpu.dma_semaphore, #tpu.memory_space<semaphore_mem>>
      %dma_start3A = arith.constant 0 : i32
      %dma_start3A_32 = arith.constant 0 : i32
      %dma_start3A_33 = tpu.memref_slice %arg8[%dma_start3A, %dma_start3A_32] : memref<128x128xf32, #tpu.memory_space<vmem>> -> memref<128x128xf32, #tpu.memory_space<vmem>>
      %dma_start3A_34 = arith.constant 0 : i32
      %dma_start3A_35 = tpu.memref_slice %arg9[%add3A_10, %dma_start3A_34] : memref<10112x128xf32, #tpu.memory_space<vmem_shared>> -> memref<128x128xf32, #tpu.memory_space<vmem_shared>>
      %dma_start3A_36 = arith.constant 0 : i32
      %dma_start3A_37 = tpu.memref_slice %arg9[%add3A_10, %dma_start3A_36] : memref<10112x128xf32, #tpu.memory_space<vmem_shared>> -> memref<128x128xf32, #tpu.memory_space<vmem_shared>>
      %dma_start3A_38 = arith.constant 0 : i32
      %dma_start3A_39 = arith.constant 0 : i32
      %dma_start3A_40 = tpu.memref_slice %arg8[%dma_start3A_38, %dma_start3A_39] : memref<128x128xf32, #tpu.memory_space<vmem>> -> memref<128x128xf32, #tpu.memory_space<vmem>>
      tpu.enqueue_dma source(%dma_start3A_40 : memref<128x128xf32, #tpu.memory_space<vmem>>) target(%dma_start3A_37 : memref<128x128xf32, #tpu.memory_space<vmem_shared>>) target_semaphore(%run_scoped3A : memref<!tpu.dma_semaphore, #tpu.memory_space<semaphore_mem>>)
      %dma_wait3A = arith.constant 0 : i32
      %dma_wait3A_41 = arith.constant 0 : i32
      %dma_wait3A_42 = tpu.memref_slice %arg8[%dma_wait3A, %dma_wait3A_41] : memref<128x128xf32, #tpu.memory_space<vmem>> -> memref<128x128xf32, #tpu.memory_space<vmem>>
      %dma_wait3A_43 = arith.constant 0 : i32
      %dma_wait3A_44 = tpu.memref_slice %arg9[%add3A_10, %dma_wait3A_43] : memref<10112x128xf32, #tpu.memory_space<vmem_shared>> -> memref<128x128xf32, #tpu.memory_space<vmem_shared>>
      %dma_wait3A_45 = arith.constant 0 : i32
      %dma_wait3A_46 = tpu.memref_slice %arg9[%add3A_10, %dma_wait3A_45] : memref<10112x128xf32, #tpu.memory_space<vmem_shared>> -> memref<128x128xf32, #tpu.memory_space<vmem_shared>>
      %dma_wait3A_47 = arith.constant 0 : i32
      %dma_wait3A_48 = arith.constant 0 : i32
      %dma_wait3A_49 = tpu.memref_slice %arg8[%dma_wait3A_47, %dma_wait3A_48] : memref<128x128xf32, #tpu.memory_space<vmem>> -> memref<128x128xf32, #tpu.memory_space<vmem>>
      tpu.wait_dma2 semaphore(%run_scoped3A : memref<!tpu.dma_semaphore, #tpu.memory_space<semaphore_mem>>) src(%dma_wait3A_49 : memref<128x128xf32, #tpu.memory_space<vmem>>) dst(%dma_wait3A_46 : memref<128x128xf32, #tpu.memory_space<vmem_shared>>)
      tpu.yield
    }) : () -> ()
    %add3A_11 = arith.constant 384 : i32
    %add3A_12 = arith.addi %multiple_of3A, %add3A_11 : i32
    "tpu.region"() ({
      %run_scoped3A = tpu.sem_alloc : memref<!tpu.dma_semaphore, #tpu.memory_space<semaphore_mem>>
      %dma_start3A = arith.constant 0 : i32
      %dma_start3A_32 = arith.constant 0 : i32
      %dma_start3A_33 = tpu.memref_slice %arg8[%dma_start3A, %dma_start3A_32] : memref<128x128xf32, #tpu.memory_space<vmem>> -> memref<128x128xf32, #tpu.memory_space<vmem>>
      %dma_start3A_34 = arith.constant 0 : i32
      %dma_start3A_35 = tpu.memref_slice %arg9[%add3A_12, %dma_start3A_34] : memref<10112x128xf32, #tpu.memory_space<vmem_shared>> -> memref<128x128xf32, #tpu.memory_space<vmem_shared>>
      %dma_start3A_36 = arith.constant 0 : i32
      %dma_start3A_37 = tpu.memref_slice %arg9[%add3A_12, %dma_start3A_36] : memref<10112x128xf32, #tpu.memory_space<vmem_shared>> -> memref<128x128xf32, #tpu.memory_space<vmem_shared>>
      %dma_start3A_38 = arith.constant 0 : i32
      %dma_start3A_39 = arith.constant 0 : i32
      %dma_start3A_40 = tpu.memref_slice %arg8[%dma_start3A_38, %dma_start3A_39] : memref<128x128xf32, #tpu.memory_space<vmem>> -> memref<128x128xf32, #tpu.memory_space<vmem>>
      tpu.enqueue_dma source(%dma_start3A_40 : memref<128x128xf32, #tpu.memory_space<vmem>>) target(%dma_start3A_37 : memref<128x128xf32, #tpu.memory_space<vmem_shared>>) target_semaphore(%run_scoped3A : memref<!tpu.dma_semaphore, #tpu.memory_space<semaphore_mem>>)
      %dma_wait3A = arith.constant 0 : i32
      %dma_wait3A_41 = arith.constant 0 : i32
      %dma_wait3A_42 = tpu.memref_slice %arg8[%dma_wait3A, %dma_wait3A_41] : memref<128x128xf32, #tpu.memory_space<vmem>> -> memref<128x128xf32, #tpu.memory_space<vmem>>
      %dma_wait3A_43 = arith.constant 0 : i32
      %dma_wait3A_44 = tpu.memref_slice %arg9[%add3A_12, %dma_wait3A_43] : memref<10112x128xf32, #tpu.memory_space<vmem_shared>> -> memref<128x128xf32, #tpu.memory_space<vmem_shared>>
      %dma_wait3A_45 = arith.constant 0 : i32
      %dma_wait3A_46 = tpu.memref_slice %arg9[%add3A_12, %dma_wait3A_45] : memref<10112x128xf32, #tpu.memory_space<vmem_shared>> -> memref<128x128xf32, #tpu.memory_space<vmem_shared>>
      %dma_wait3A_47 = arith.constant 0 : i32
      %dma_wait3A_48 = arith.constant 0 : i32
      %dma_wait3A_49 = tpu.memref_slice %arg8[%dma_wait3A_47, %dma_wait3A_48] : memref<128x128xf32, #tpu.memory_space<vmem>> -> memref<128x128xf32, #tpu.memory_space<vmem>>
      tpu.wait_dma2 semaphore(%run_scoped3A : memref<!tpu.dma_semaphore, #tpu.memory_space<semaphore_mem>>) src(%dma_wait3A_49 : memref<128x128xf32, #tpu.memory_space<vmem>>) dst(%dma_wait3A_46 : memref<128x128xf32, #tpu.memory_space<vmem_shared>>)
      tpu.yield
    }) : () -> ()
    %add3A_13 = arith.constant 512 : i32
    %add3A_14 = arith.addi %multiple_of3A, %add3A_13 : i32
    "tpu.region"() ({
      %run_scoped3A = tpu.sem_alloc : memref<!tpu.dma_semaphore, #tpu.memory_space<semaphore_mem>>
      %dma_start3A = arith.constant 0 : i32
      %dma_start3A_32 = arith.constant 0 : i32
      %dma_start3A_33 = tpu.memref_slice %arg8[%dma_start3A, %dma_start3A_32] : memref<128x128xf32, #tpu.memory_space<vmem>> -> memref<120x128xf32, #tpu.memory_space<vmem>>
      %dma_start3A_34 = arith.constant 0 : i32
      %dma_start3A_35 = tpu.memref_slice %arg9[%add3A_14, %dma_start3A_34] : memref<10112x128xf32, #tpu.memory_space<vmem_shared>> -> memref<120x128xf32, #tpu.memory_space<vmem_shared>>
      %dma_start3A_36 = arith.constant 0 : i32
      %dma_start3A_37 = tpu.memref_slice %arg9[%add3A_14, %dma_start3A_36] : memref<10112x128xf32, #tpu.memory_space<vmem_shared>> -> memref<120x128xf32, #tpu.memory_space<vmem_shared>>
      %dma_start3A_38 = arith.constant 0 : i32
      %dma_start3A_39 = arith.constant 0 : i32
      %dma_start3A_40 = tpu.memref_slice %arg8[%dma_start3A_38, %dma_start3A_39] : memref<128x128xf32, #tpu.memory_space<vmem>> -> memref<120x128xf32, #tpu.memory_space<vmem>>
      tpu.enqueue_dma source(%dma_start3A_40 : memref<120x128xf32, #tpu.memory_space<vmem>>) target(%dma_start3A_37 : memref<120x128xf32, #tpu.memory_space<vmem_shared>>) target_semaphore(%run_scoped3A : memref<!tpu.dma_semaphore, #tpu.memory_space<semaphore_mem>>)
      %dma_wait3A = arith.constant 0 : i32
      %dma_wait3A_41 = arith.constant 0 : i32
      %dma_wait3A_42 = tpu.memref_slice %arg8[%dma_wait3A, %dma_wait3A_41] : memref<128x128xf32, #tpu.memory_space<vmem>> -> memref<120x128xf32, #tpu.memory_space<vmem>>
      %dma_wait3A_43 = arith.constant 0 : i32
      %dma_wait3A_44 = tpu.memref_slice %arg9[%add3A_14, %dma_wait3A_43] : memref<10112x128xf32, #tpu.memory_space<vmem_shared>> -> memref<120x128xf32, #tpu.memory_space<vmem_shared>>
      %dma_wait3A_45 = arith.constant 0 : i32
      %dma_wait3A_46 = tpu.memref_slice %arg9[%add3A_14, %dma_wait3A_45] : memref<10112x128xf32, #tpu.memory_space<vmem_shared>> -> memref<120x128xf32, #tpu.memory_space<vmem_shared>>
      %dma_wait3A_47 = arith.constant 0 : i32
      %dma_wait3A_48 = arith.constant 0 : i32
      %dma_wait3A_49 = tpu.memref_slice %arg8[%dma_wait3A_47, %dma_wait3A_48] : memref<128x128xf32, #tpu.memory_space<vmem>> -> memref<120x128xf32, #tpu.memory_space<vmem>>
      tpu.wait_dma2 semaphore(%run_scoped3A : memref<!tpu.dma_semaphore, #tpu.memory_space<semaphore_mem>>) src(%dma_wait3A_49 : memref<120x128xf32, #tpu.memory_space<vmem>>) dst(%dma_wait3A_46 : memref<120x128xf32, #tpu.memory_space<vmem_shared>>)
      tpu.yield
    }) : () -> ()
    %barrier3A = arith.constant 0 : index
    tpu.barrier barrier_id(%barrier3A)
    %mul3A_15 = arith.constant 321536 : i32
    %mul3A_16 = arith.muli %arg0, %mul3A_15 : i32
    %mul3A_17 = arith.constant 20096 : i32
    %mul3A_18 = arith.muli %arg1, %mul3A_17 : i32
    %add3A_19 = arith.addi %mul3A_16, %mul3A_18 : i32
    %multiple_of3A_20 = tpu.assume_multiple %add3A_19, 128 : i32
    %scan3A_21 = arith.constant 0 : i32
    %scan3A_22 = arith.constant 0 : i32
    %scan3A_23 = arith.constant 157 : i32
    %scan3A_24 = arith.addi %scan3A_22, %scan3A_23 : i32
    %scan3A_25 = arith.constant 1 : i32
    scf.for %scan3A_32 = %scan3A_22 to %scan3A_24 step %scan3A_25  : i32 {
      %mul3A_33 = arith.constant 128 : i32
      %mul3A_34 = arith.muli %scan3A_32, %mul3A_33 : i32
      %add3A_35 = arith.addi %multiple_of3A_20, %mul3A_34 : i32
      %multiple_of3A_36 = tpu.assume_multiple %add3A_35, 128 : i32
      "tpu.region"() ({
        %run_scoped3A = tpu.sem_alloc : memref<!tpu.dma_semaphore, #tpu.memory_space<semaphore_mem>>
        %dma_start3A_41 = tpu.memref_slice %arg2[%multiple_of3A_36] : memref<643072xi32, #tpu.memory_space<hbm>> -> memref<128xi32, #tpu.memory_space<hbm>>
        %dma_start3A_42 = tpu.memref_slice %arg2[%multiple_of3A_36] : memref<643072xi32, #tpu.memory_space<hbm>> -> memref<128xi32, #tpu.memory_space<hbm>>
        tpu.enqueue_dma source(%dma_start3A_42 : memref<128xi32, #tpu.memory_space<hbm>>) target(%arg6 : memref<128xi32, #tpu.memory_space<vmem>>) target_semaphore(%run_scoped3A : memref<!tpu.dma_semaphore, #tpu.memory_space<semaphore_mem>>)
        %dma_wait3A_43 = tpu.memref_slice %arg2[%multiple_of3A_36] : memref<643072xi32, #tpu.memory_space<hbm>> -> memref<128xi32, #tpu.memory_space<hbm>>
        %dma_wait3A_44 = tpu.memref_slice %arg2[%multiple_of3A_36] : memref<643072xi32, #tpu.memory_space<hbm>> -> memref<128xi32, #tpu.memory_space<hbm>>
        tpu.wait_dma2 semaphore(%run_scoped3A : memref<!tpu.dma_semaphore, #tpu.memory_space<semaphore_mem>>) src(%dma_wait3A_44 : memref<128xi32, #tpu.memory_space<hbm>>) dst(%arg6 : memref<128xi32, #tpu.memory_space<vmem>>)
        tpu.yield
      }) : () -> ()
      "tpu.region"() ({
        %run_scoped3A = tpu.sem_alloc : memref<!tpu.dma_semaphore, #tpu.memory_space<semaphore_mem>>
        %dma_start3A_41 = tpu.memref_slice %arg3[%multiple_of3A_36] : memref<643072xi32, #tpu.memory_space<hbm>> -> memref<128xi32, #tpu.memory_space<hbm>>
        %dma_start3A_42 = tpu.memref_slice %arg3[%multiple_of3A_36] : memref<643072xi32, #tpu.memory_space<hbm>> -> memref<128xi32, #tpu.memory_space<hbm>>
        tpu.enqueue_dma source(%dma_start3A_42 : memref<128xi32, #tpu.memory_space<hbm>>) target(%arg7 : memref<128xi32, #tpu.memory_space<vmem>>) target_semaphore(%run_scoped3A : memref<!tpu.dma_semaphore, #tpu.memory_space<semaphore_mem>>)
        %dma_wait3A_43 = tpu.memref_slice %arg3[%multiple_of3A_36] : memref<643072xi32, #tpu.memory_space<hbm>> -> memref<128xi32, #tpu.memory_space<hbm>>
        %dma_wait3A_44 = tpu.memref_slice %arg3[%multiple_of3A_36] : memref<643072xi32, #tpu.memory_space<hbm>> -> memref<128xi32, #tpu.memory_space<hbm>>
        tpu.wait_dma2 semaphore(%run_scoped3A : memref<!tpu.dma_semaphore, #tpu.memory_space<semaphore_mem>>) src(%dma_wait3A_44 : memref<128xi32, #tpu.memory_space<hbm>>) dst(%arg7 : memref<128xi32, #tpu.memory_space<vmem>>)
        tpu.yield
      }) : () -> ()
      %dma_start3A = arith.constant 0 : i32
      %dma_start3A_37 = arith.constant 0 : i32
      %dma_start3A_38 = tpu.memref_slice %arg4[%dma_start3A, %dma_start3A_37] : memref<10312x128xf32, #tpu.memory_space<hbm>> -> memref<10312x128xf32, #tpu.memory_space<hbm>>
      tpu.enqueue_indirect_dma source(%dma_start3A_38 : memref<10312x128xf32, #tpu.memory_space<hbm>>) target(%arg8 : memref<128x128xf32, #tpu.memory_space<vmem>>) offsets(%arg6 : memref<128xi32, #tpu.memory_space<vmem>>) semaphore(%arg10 : memref<!tpu.dma_semaphore, #tpu.memory_space<semaphore_mem>>)
      %dma_wait3A = arith.constant 0 : i32
      %dma_wait3A_39 = arith.constant 0 : i32
      %dma_wait3A_40 = tpu.memref_slice %arg4[%dma_wait3A, %dma_wait3A_39] : memref<10312x128xf32, #tpu.memory_space<hbm>> -> memref<10312x128xf32, #tpu.memory_space<hbm>>
      tpu.wait_indirect_dma semaphore(%arg10 : memref<!tpu.dma_semaphore, #tpu.memory_space<semaphore_mem>>) src(%dma_wait3A_40 : memref<10312x128xf32, #tpu.memory_space<hbm>>) dst(%arg8 : memref<128x128xf32, #tpu.memory_space<vmem>>)
      "tpu.region"() ({
        %run_scoped3A = tpu.sem_alloc : memref<!tpu.dma_semaphore, #tpu.memory_space<semaphore_mem>>
        %dma_start3A_41 = arith.constant 0 : i32
        %dma_start3A_42 = arith.constant 0 : i32
        %dma_start3A_43 = tpu.memref_slice %arg9[%dma_start3A_41, %dma_start3A_42] : memref<10112x128xf32, #tpu.memory_space<vmem_shared>> -> memref<10112x128xf32, #tpu.memory_space<vmem_shared>>
        tpu.enqueue_indirect_dma source(%arg8 : memref<128x128xf32, #tpu.memory_space<vmem>>) target(%dma_start3A_43 : memref<10112x128xf32, #tpu.memory_space<vmem_shared>>) offsets(%arg7 : memref<128xi32, #tpu.memory_space<vmem>>) semaphore(%run_scoped3A : memref<!tpu.dma_semaphore, #tpu.memory_space<semaphore_mem>>) {add = true}
        %dma_wait3A_44 = arith.constant 0 : i32
        %dma_wait3A_45 = arith.constant 0 : i32
        %dma_wait3A_46 = tpu.memref_slice %arg9[%dma_wait3A_44, %dma_wait3A_45] : memref<10112x128xf32, #tpu.memory_space<vmem_shared>> -> memref<10112x128xf32, #tpu.memory_space<vmem_shared>>
        tpu.wait_indirect_dma semaphore(%run_scoped3A : memref<!tpu.dma_semaphore, #tpu.memory_space<semaphore_mem>>) src(%arg8 : memref<128x128xf32, #tpu.memory_space<vmem>>) dst(%dma_wait3A_46 : memref<10112x128xf32, #tpu.memory_space<vmem_shared>>)
        tpu.yield
      }) : () -> ()
    }
    %scan3A_26 = arith.constant 157 : i32
    %barrier3A_27 = arith.constant 0 : index
    tpu.barrier barrier_id(%barrier3A_27)
    %mul3A_28 = arith.constant 10112 : i32
    %mul3A_29 = arith.muli %arg0, %mul3A_28 : i32
    %add3A_30 = arith.addi %mul3A_29, %multiple_of3A : i32
    %multiple_of3A_31 = tpu.assume_multiple %add3A_30, 632 : i32
    "tpu.region"() ({
      %run_scoped3A = tpu.sem_alloc : memref<!tpu.dma_semaphore, #tpu.memory_space<semaphore_mem>>
      %dma_start3A = arith.constant 0 : i32
      %dma_start3A_32 = tpu.memref_slice %arg5[%multiple_of3A_31, %dma_start3A] : memref<20224x128xf32, #tpu.memory_space<hbm>> -> memref<632x128xf32, #tpu.memory_space<hbm>>
      %dma_start3A_33 = arith.constant 0 : i32
      %dma_start3A_34 = tpu.memref_slice %arg9[%multiple_of3A, %dma_start3A_33] : memref<10112x128xf32, #tpu.memory_space<vmem_shared>> -> memref<632x128xf32, #tpu.memory_space<vmem_shared>>
      tpu.enqueue_dma source(%dma_start3A_34 : memref<632x128xf32, #tpu.memory_space<vmem_shared>>) target(%dma_start3A_32 : memref<632x128xf32, #tpu.memory_space<hbm>>) target_semaphore(%run_scoped3A : memref<!tpu.dma_semaphore, #tpu.memory_space<semaphore_mem>>)
      %dma_wait3A = arith.constant 0 : i32
      %dma_wait3A_35 = tpu.memref_slice %arg5[%multiple_of3A_31, %dma_wait3A] : memref<20224x128xf32, #tpu.memory_space<hbm>> -> memref<632x128xf32, #tpu.memory_space<hbm>>
      %dma_wait3A_36 = arith.constant 0 : i32
      %dma_wait3A_37 = tpu.memref_slice %arg9[%multiple_of3A, %dma_wait3A_36] : memref<10112x128xf32, #tpu.memory_space<vmem_shared>> -> memref<632x128xf32, #tpu.memory_space<vmem_shared>>
      tpu.wait_dma2 semaphore(%run_scoped3A : memref<!tpu.dma_semaphore, #tpu.memory_space<semaphore_mem>>) src(%dma_wait3A_37 : memref<632x128xf32, #tpu.memory_space<vmem_shared>>) dst(%dma_wait3A_35 : memref<632x128xf32, #tpu.memory_space<hbm>>)
      tpu.yield
    }) : () -> ()
    return
  }
}

module attributes {stable_mosaic.version = 14 : i64} {
  func.func @_prep_body(%arg0: i32, %arg1: memref<1264x128xf32, #tpu.memory_space<vmem>>, %arg2: memref<128x128xf32, #tpu.memory_space<vmem>>, %arg3: memref<128x128xf32, #tpu.memory_space<vmem>>, %arg4: memref<1264x128xf32, #tpu.memory_space<vmem>>, %arg5: memref<1264x128xf32, #tpu.memory_space<vmem>>) attributes {dimension_semantics = [#tpu.dimension_semantics<arbitrary>], iteration_bounds = array<i64: 8>, scalar_prefetch = 0 : i64, scratch_operands = 0 : i64, tpu.core_type = #tpu.core_type<tc>, window_params = [{transform_indices = @transform_0, window_bounds = array<i64: 1264, 128>}, {pipeline_mode = #tpu.pipeline_mode<synchronous>, transform_indices = @transform_1, window_bounds = array<i64: 128, 128>}, {pipeline_mode = #tpu.pipeline_mode<synchronous>, transform_indices = @transform_2, window_bounds = array<i64: 128, 128>}, {transform_indices = @transform_3, window_bounds = array<i64: 1264, 128>}, {transform_indices = @transform_4, window_bounds = array<i64: 1264, 128>}]} {
    %get3A = arith.constant 0 : index
    %get3A_0 = arith.constant 0 : index
    %get3A_1 = vector.load %arg1[%get3A, %get3A_0] : memref<1264x128xf32, #tpu.memory_space<vmem>>, vector<1264x128xf32>
    %get3A_2 = arith.constant 0 : index
    %get3A_3 = arith.constant 0 : index
    %get3A_4 = vector.load %arg2[%get3A_2, %get3A_3] : memref<128x128xf32, #tpu.memory_space<vmem>>, vector<128x128xf32>
    %dot_general3A = arith.constant dense<0.000000e+00> : vector<1264x128xf32>
    %dot_general3A_5 = tpu.matmul %get3A_1, %get3A_4, %dot_general3A {dimension_numbers = #tpu.dot_dimension_numbers<[1], [0], [0], [1], [0, 0, 1, 1], [], []>, transpose_lhs_hint = false} : vector<1264x128xf32>, vector<128x128xf32>, vector<1264x128xf32> -> vector<1264x128xf32>
    %swap3A = arith.constant 0 : index
    %swap3A_6 = arith.constant 0 : index
    %swap3A_7 = vector.load %arg4[%swap3A, %swap3A_6] : memref<1264x128xf32, #tpu.memory_space<vmem>>, vector<1264x128xf32>
    tpu.vector_store %arg4[%swap3A, %swap3A_6], %dot_general3A_5 {strides = array<i32>} : memref<1264x128xf32, #tpu.memory_space<vmem>>, vector<1264x128xf32>,
    %get3A_8 = arith.constant 0 : index
    %get3A_9 = arith.constant 0 : index
    %get3A_10 = vector.load %arg3[%get3A_8, %get3A_9] : memref<128x128xf32, #tpu.memory_space<vmem>>, vector<128x128xf32>
    %dot_general3A_11 = arith.constant dense<0.000000e+00> : vector<1264x128xf32>
    %dot_general3A_12 = tpu.matmul %get3A_1, %get3A_10, %dot_general3A_11 {dimension_numbers = #tpu.dot_dimension_numbers<[1], [0], [0], [1], [0, 0, 1, 1], [], []>, transpose_lhs_hint = false} : vector<1264x128xf32>, vector<128x128xf32>, vector<1264x128xf32> -> vector<1264x128xf32>
    %swap3A_13 = arith.constant 0 : index
    %swap3A_14 = arith.constant 0 : index
    %swap3A_15 = vector.load %arg5[%swap3A_13, %swap3A_14] : memref<1264x128xf32, #tpu.memory_space<vmem>>, vector<1264x128xf32>
    tpu.vector_store %arg5[%swap3A_13, %swap3A_14], %dot_general3A_12 {strides = array<i32>} : memref<1264x128xf32, #tpu.memory_space<vmem>>, vector<1264x128xf32>,
    return
  }
  func.func @transform_0(%arg0: i32) -> (i32, i32) {
    %c0_i32 = arith.constant 0 : i32
    %c0_i32_0 = arith.constant 0 : i32
    return %arg0, %c0_i32 : i32, i32
  }
  func.func @transform_1(%arg0: i32) -> (i32, i32) {
    %c0_i32 = arith.constant 0 : i32
    %c0_i32_0 = arith.constant 0 : i32
    %c0_i32_1 = arith.constant 0 : i32
    return %c0_i32, %c0_i32_0 : i32, i32
  }
  func.func @transform_2(%arg0: i32) -> (i32, i32) {
    %c0_i32 = arith.constant 0 : i32
    %c0_i32_0 = arith.constant 0 : i32
    %c0_i32_1 = arith.constant 0 : i32
    return %c0_i32, %c0_i32_0 : i32, i32
  }
  func.func @transform_3(%arg0: i32) -> (i32, i32) {
    %c0_i32 = arith.constant 0 : i32
    %c0_i32_0 = arith.constant 0 : i32
    return %arg0, %c0_i32 : i32, i32
  }
  func.func @transform_4(%arg0: i32) -> (i32, i32) {
    %c0_i32 = arith.constant 0 : i32
    %c0_i32_0 = arith.constant 0 : i32
    return %arg0, %c0_i32 : i32, i32
  }
}

module attributes {stable_mosaic.version = 14 : i64} {
  func.func @_rel_mm_body(%arg0: memref<200x128xf32, #tpu.memory_space<vmem>>, %arg1: memref<2500x128xi32, #tpu.memory_space<vmem>>, %arg2: memref<128x128xf32, #tpu.memory_space<vmem>>, %arg3: memref<200x128xf32, #tpu.memory_space<vmem>>, %arg4: memref<2500x128xi32, #tpu.memory_space<vmem>>) attributes {dimension_semantics = [], scalar_prefetch = 0 : i64, scratch_operands = 0 : i64, tpu.core_type = #tpu.core_type<tc>} {
    %get3A = arith.constant 0 : index
    %get3A_0 = arith.constant 0 : index
    %get3A_1 = vector.load %arg0[%get3A, %get3A_0] : memref<200x128xf32, #tpu.memory_space<vmem>>, vector<200x128xf32>
    %get3A_2 = arith.constant 0 : index
    %get3A_3 = arith.constant 0 : index
    %get3A_4 = vector.load %arg2[%get3A_2, %get3A_3] : memref<128x128xf32, #tpu.memory_space<vmem>>, vector<128x128xf32>
    %dot_general3A = arith.constant dense<0.000000e+00> : vector<200x128xf32>
    %dot_general3A_5 = tpu.matmul %get3A_1, %get3A_4, %dot_general3A {dimension_numbers = #tpu.dot_dimension_numbers<[1], [0], [0], [1], [0, 0, 1, 1], [], []>, transpose_lhs_hint = false} : vector<200x128xf32>, vector<128x128xf32>, vector<200x128xf32> -> vector<200x128xf32>
    %swap3A = arith.constant 0 : index
    %swap3A_6 = arith.constant 0 : index
    %swap3A_7 = vector.load %arg3[%swap3A, %swap3A_6] : memref<200x128xf32, #tpu.memory_space<vmem>>, vector<200x128xf32>
    tpu.vector_store %arg3[%swap3A, %swap3A_6], %dot_general3A_5 {strides = array<i32>} : memref<200x128xf32, #tpu.memory_space<vmem>>, vector<200x128xf32>,
    %get3A_8 = arith.constant 0 : index
    %get3A_9 = arith.constant 0 : index
    %get3A_10 = vector.load %arg1[%get3A_8, %get3A_9] : memref<2500x128xi32, #tpu.memory_space<vmem>>, vector<2500x128xi32>
    %add3A = arith.constant 10112 : i32
    %add3A_11 = vector.broadcast %add3A : i32 to vector<2500x128xi32>
    %add3A_12 = arith.addi %get3A_10, %add3A_11 : vector<2500x128xi32>
    %swap3A_13 = arith.constant 0 : index
    %swap3A_14 = arith.constant 0 : index
    %swap3A_15 = vector.load %arg4[%swap3A_13, %swap3A_14] : memref<2500x128xi32, #tpu.memory_space<vmem>>, vector<2500x128xi32>
    tpu.vector_store %arg4[%swap3A_13, %swap3A_14], %add3A_12 {strides = array<i32>} : memref<2500x128xi32, #tpu.memory_space<vmem>>, vector<2500x128xi32>,
    return
  }
}

module attributes {stable_mosaic.version = 14 : i64} {
  func.func @_rel_mm_body(%arg0: memref<200x128xf32, #tpu.memory_space<vmem>>, %arg1: memref<2500x128xi32, #tpu.memory_space<vmem>>, %arg2: memref<128x128xf32, #tpu.memory_space<vmem>>, %arg3: memref<200x128xf32, #tpu.memory_space<vmem>>, %arg4: memref<2500x128xi32, #tpu.memory_space<vmem>>) attributes {dimension_semantics = [], scalar_prefetch = 0 : i64, scratch_operands = 0 : i64, tpu.core_type = #tpu.core_type<tc>} {
    %get3A = arith.constant 0 : index
    %get3A_0 = arith.constant 0 : index
    %get3A_1 = vector.load %arg0[%get3A, %get3A_0] : memref<200x128xf32, #tpu.memory_space<vmem>>, vector<200x128xf32>
    %get3A_2 = arith.constant 0 : index
    %get3A_3 = arith.constant 0 : index
    %get3A_4 = vector.load %arg2[%get3A_2, %get3A_3] : memref<128x128xf32, #tpu.memory_space<vmem>>, vector<128x128xf32>
    %dot_general3A = arith.constant dense<0.000000e+00> : vector<200x128xf32>
    %dot_general3A_5 = tpu.matmul %get3A_1, %get3A_4, %dot_general3A {dimension_numbers = #tpu.dot_dimension_numbers<[1], [0], [0], [1], [0, 0, 1, 1], [], []>, transpose_lhs_hint = false} : vector<200x128xf32>, vector<128x128xf32>, vector<200x128xf32> -> vector<200x128xf32>
    %swap3A = arith.constant 0 : index
    %swap3A_6 = arith.constant 0 : index
    %swap3A_7 = vector.load %arg3[%swap3A, %swap3A_6] : memref<200x128xf32, #tpu.memory_space<vmem>>, vector<200x128xf32>
    tpu.vector_store %arg3[%swap3A, %swap3A_6], %dot_general3A_5 {strides = array<i32>} : memref<200x128xf32, #tpu.memory_space<vmem>>, vector<200x128xf32>,
    %get3A_8 = arith.constant 0 : index
    %get3A_9 = arith.constant 0 : index
    %get3A_10 = vector.load %arg1[%get3A_8, %get3A_9] : memref<2500x128xi32, #tpu.memory_space<vmem>>, vector<2500x128xi32>
    %add3A = arith.constant 10112 : i32
    %add3A_11 = vector.broadcast %add3A : i32 to vector<2500x128xi32>
    %add3A_12 = arith.addi %get3A_10, %add3A_11 : vector<2500x128xi32>
    %swap3A_13 = arith.constant 0 : index
    %swap3A_14 = arith.constant 0 : index
    %swap3A_15 = vector.load %arg4[%swap3A_13, %swap3A_14] : memref<2500x128xi32, #tpu.memory_space<vmem>>, vector<2500x128xi32>
    tpu.vector_store %arg4[%swap3A_13, %swap3A_14], %add3A_12 {strides = array<i32>} : memref<2500x128xi32, #tpu.memory_space<vmem>>, vector<2500x128xi32>,
    return
  }
}

module attributes {stable_mosaic.version = 14 : i64} {
  func.func @_combine_mm_body(%arg0: i32, %arg1: memref<1264x128xf32, #tpu.memory_space<vmem>>, %arg2: memref<1264x128xf32, #tpu.memory_space<vmem>>, %arg3: memref<1264x128xf32, #tpu.memory_space<vmem>>, %arg4: memref<1264x128xf32, #tpu.memory_space<vmem>>, %arg5: memref<1264x128xf32, #tpu.memory_space<vmem>>, %arg6: memref<128x128xf32, #tpu.memory_space<vmem>>, %arg7: memref<128x128xf32, #tpu.memory_space<vmem>>, %arg8: memref<1264x128xf32, #tpu.memory_space<vmem>>, %arg9: memref<1264x128xf32, #tpu.memory_space<vmem>>) attributes {dimension_semantics = [#tpu.dimension_semantics<arbitrary>], iteration_bounds = array<i64: 8>, scalar_prefetch = 0 : i64, scratch_operands = 0 : i64, tpu.core_type = #tpu.core_type<tc>, window_params = [{transform_indices = @transform_0, window_bounds = array<i64: 1264, 128>}, {transform_indices = @transform_1, window_bounds = array<i64: 1264, 128>}, {transform_indices = @transform_2, window_bounds = array<i64: 1264, 128>}, {transform_indices = @transform_3, window_bounds = array<i64: 1264, 128>}, {transform_indices = @transform_4, window_bounds = array<i64: 1264, 128>}, {pipeline_mode = #tpu.pipeline_mode<synchronous>, transform_indices = @transform_5, window_bounds = array<i64: 128, 128>}, {pipeline_mode = #tpu.pipeline_mode<synchronous>, transform_indices = @transform_6, window_bounds = array<i64: 128, 128>}, {transform_indices = @transform_7, window_bounds = array<i64: 1264, 128>}, {transform_indices = @transform_8, window_bounds = array<i64: 1264, 128>}]} {
    %get3A = arith.constant 0 : index
    %get3A_0 = arith.constant 0 : index
    %get3A_1 = vector.load %arg1[%get3A, %get3A_0] : memref<1264x128xf32, #tpu.memory_space<vmem>>, vector<1264x128xf32>
    %get3A_2 = arith.constant 0 : index
    %get3A_3 = arith.constant 0 : index
    %get3A_4 = vector.load %arg2[%get3A_2, %get3A_3] : memref<1264x128xf32, #tpu.memory_space<vmem>>, vector<1264x128xf32>
    %add3A = arith.addf %get3A_1, %get3A_4 : vector<1264x128xf32>
    %get3A_5 = arith.constant 0 : index
    %get3A_6 = arith.constant 0 : index
    %get3A_7 = vector.load %arg3[%get3A_5, %get3A_6] : memref<1264x128xf32, #tpu.memory_space<vmem>>, vector<1264x128xf32>
    %slice3A = vector.extract_strided_slice %get3A_7 {offsets = [0, 0], sizes = [1264, 1], strides = [1, 1]} : vector<1264x128xf32> to vector<1264x1xf32>
    %get3A_8 = arith.constant 0 : index
    %get3A_9 = arith.constant 0 : index
    %get3A_10 = vector.load %arg4[%get3A_8, %get3A_9] : memref<1264x128xf32, #tpu.memory_space<vmem>>, vector<1264x128xf32>
    %slice3A_11 = vector.extract_strided_slice %get3A_10 {offsets = [0, 0], sizes = [1264, 1], strides = [1, 1]} : vector<1264x128xf32> to vector<1264x1xf32>
    %add3A_12 = arith.addf %slice3A, %slice3A_11 : vector<1264x1xf32>
    %jit3A = arith.constant 1.000000e+00 : f32
    %max3A = vector.broadcast %jit3A : f32 to vector<1264x1xf32>
    %max3A_13 = arith.maximumf %max3A, %add3A_12 : vector<1264x1xf32>
    %div3A = vector.broadcast %max3A_13 : vector<1264x1xf32> to vector<1264x128xf32>
    %div3A_14 = arith.divf %add3A, %div3A : vector<1264x128xf32>
    %get3A_15 = arith.constant 0 : index
    %get3A_16 = arith.constant 0 : index
    %get3A_17 = vector.load %arg5[%get3A_15, %get3A_16] : memref<1264x128xf32, #tpu.memory_space<vmem>>, vector<1264x128xf32>
    %add3A_18 = arith.addf %div3A_14, %get3A_17 : vector<1264x128xf32>
    %ge3A = arith.constant 0.000000e+00 : f32
    %ge3A_19 = vector.broadcast %ge3A : f32 to vector<1264x128xf32>
    %ge3A_20 = arith.cmpf oge, %add3A_18, %ge3A_19 : vector<1264x128xf32>
    %mul3A = arith.constant 0.229166672 : f32
    %mul3A_21 = vector.broadcast %mul3A : f32 to vector<1264x128xf32>
    %mul3A_22 = arith.mulf %add3A_18, %mul3A_21 : vector<1264x128xf32>
    %select_n3A = arith.select %ge3A_20, %add3A_18, %mul3A_22 : vector<1264x128xi1>, vector<1264x128xf32>
    %mul3A_23 = arith.mulf %select_n3A, %select_n3A : vector<1264x128xf32>
    %reduce_sum3A = arith.constant dense<0.000000e+00> : vector<1264xf32>
    %reduce_sum3A_24 = vector.multi_reduction <add>, %mul3A_23, %reduce_sum3A [1] : vector<1264x128xf32> to vector<1264xf32>
    %broadcast_in_dim3A = vector.shape_cast %reduce_sum3A_24 : vector<1264xf32> to vector<1264x1xf32>
    %sqrt3A = math.sqrt %broadcast_in_dim3A : vector<1264x1xf32>
    %add3A_25 = arith.constant 9.99999996E-13 : f32
    %add3A_26 = vector.broadcast %add3A_25 : f32 to vector<1264x1xf32>
    %add3A_27 = arith.addf %sqrt3A, %add3A_26 : vector<1264x1xf32>
    %div3A_28 = vector.broadcast %add3A_27 : vector<1264x1xf32> to vector<1264x128xf32>
    %div3A_29 = arith.divf %select_n3A, %div3A_28 : vector<1264x128xf32>
    %get3A_30 = arith.constant 0 : index
    %get3A_31 = arith.constant 0 : index
    %get3A_32 = vector.load %arg6[%get3A_30, %get3A_31] : memref<128x128xf32, #tpu.memory_space<vmem>>, vector<128x128xf32>
    %dot_general3A = arith.constant dense<0.000000e+00> : vector<1264x128xf32>
    %dot_general3A_33 = tpu.matmul %div3A_29, %get3A_32, %dot_general3A {dimension_numbers = #tpu.dot_dimension_numbers<[1], [0], [0], [1], [0, 0, 1, 1], [], []>, transpose_lhs_hint = false} : vector<1264x128xf32>, vector<128x128xf32>, vector<1264x128xf32> -> vector<1264x128xf32>
    %swap3A = arith.constant 0 : index
    %swap3A_34 = arith.constant 0 : index
    %swap3A_35 = vector.load %arg8[%swap3A, %swap3A_34] : memref<1264x128xf32, #tpu.memory_space<vmem>>, vector<1264x128xf32>
    tpu.vector_store %arg8[%swap3A, %swap3A_34], %dot_general3A_33 {strides = array<i32>} : memref<1264x128xf32, #tpu.memory_space<vmem>>, vector<1264x128xf32>,
    %get3A_36 = arith.constant 0 : index
    %get3A_37 = arith.constant 0 : index
    %get3A_38 = vector.load %arg7[%get3A_36, %get3A_37] : memref<128x128xf32, #tpu.memory_space<vmem>>, vector<128x128xf32>
    %dot_general3A_39 = arith.constant dense<0.000000e+00> : vector<1264x128xf32>
    %dot_general3A_40 = tpu.matmul %div3A_29, %get3A_38, %dot_general3A_39 {dimension_numbers = #tpu.dot_dimension_numbers<[1], [0], [0], [1], [0, 0, 1, 1], [], []>, transpose_lhs_hint = false} : vector<1264x128xf32>, vector<128x128xf32>, vector<1264x128xf32> -> vector<1264x128xf32>
    %swap3A_41 = arith.constant 0 : index
    %swap3A_42 = arith.constant 0 : index
    %swap3A_43 = vector.load %arg9[%swap3A_41, %swap3A_42] : memref<1264x128xf32, #tpu.memory_space<vmem>>, vector<1264x128xf32>
    tpu.vector_store %arg9[%swap3A_41, %swap3A_42], %dot_general3A_40 {strides = array<i32>} : memref<1264x128xf32, #tpu.memory_space<vmem>>, vector<1264x128xf32>,
    return
  }
  func.func @transform_0(%arg0: i32) -> (i32, i32) {
    %c0_i32 = arith.constant 0 : i32
    %c0_i32_0 = arith.constant 0 : i32
    return %arg0, %c0_i32 : i32, i32
  }
  func.func @transform_1(%arg0: i32) -> (i32, i32) {
    %c0_i32 = arith.constant 0 : i32
    %c0_i32_0 = arith.constant 0 : i32
    return %arg0, %c0_i32 : i32, i32
  }
  func.func @transform_2(%arg0: i32) -> (i32, i32) {
    %c0_i32 = arith.constant 0 : i32
    %c0_i32_0 = arith.constant 0 : i32
    return %arg0, %c0_i32 : i32, i32
  }
  func.func @transform_3(%arg0: i32) -> (i32, i32) {
    %c0_i32 = arith.constant 0 : i32
    %c0_i32_0 = arith.constant 0 : i32
    return %arg0, %c0_i32 : i32, i32
  }
  func.func @transform_4(%arg0: i32) -> (i32, i32) {
    %c0_i32 = arith.constant 0 : i32
    %c0_i32_0 = arith.constant 0 : i32
    return %arg0, %c0_i32 : i32, i32
  }
  func.func @transform_5(%arg0: i32) -> (i32, i32) {
    %c0_i32 = arith.constant 0 : i32
    %c0_i32_0 = arith.constant 0 : i32
    %c0_i32_1 = arith.constant 0 : i32
    return %c0_i32, %c0_i32_0 : i32, i32
  }
  func.func @transform_6(%arg0: i32) -> (i32, i32) {
    %c0_i32 = arith.constant 0 : i32
    %c0_i32_0 = arith.constant 0 : i32
    %c0_i32_1 = arith.constant 0 : i32
    return %c0_i32, %c0_i32_0 : i32, i32
  }
  func.func @transform_7(%arg0: i32) -> (i32, i32) {
    %c0_i32 = arith.constant 0 : i32
    %c0_i32_0 = arith.constant 0 : i32
    return %arg0, %c0_i32 : i32, i32
  }
  func.func @transform_8(%arg0: i32) -> (i32, i32) {
    %c0_i32 = arith.constant 0 : i32
    %c0_i32_0 = arith.constant 0 : i32
    return %arg0, %c0_i32 : i32, i32
  }
}

module attributes {stable_mosaic.version = 14 : i64} {
  func.func @_combine_out_body(%arg0: i32, %arg1: memref<1264x128xf32, #tpu.memory_space<vmem>>, %arg2: memref<1264x128xf32, #tpu.memory_space<vmem>>, %arg3: memref<1264x128xf32, #tpu.memory_space<vmem>>, %arg4: memref<1264x128xf32, #tpu.memory_space<vmem>>, %arg5: memref<1264x128xf32, #tpu.memory_space<vmem>>, %arg6: memref<1264x128xf32, #tpu.memory_space<vmem>>) attributes {dimension_semantics = [#tpu.dimension_semantics<arbitrary>], iteration_bounds = array<i64: 8>, scalar_prefetch = 0 : i64, scratch_operands = 0 : i64, tpu.core_type = #tpu.core_type<tc>, window_params = [{transform_indices = @transform_0, window_bounds = array<i64: 1264, 128>}, {transform_indices = @transform_1, window_bounds = array<i64: 1264, 128>}, {transform_indices = @transform_2, window_bounds = array<i64: 1264, 128>}, {transform_indices = @transform_3, window_bounds = array<i64: 1264, 128>}, {transform_indices = @transform_4, window_bounds = array<i64: 1264, 128>}, {transform_indices = @transform_5, window_bounds = array<i64: 1264, 128>}]} {
    %get3A = arith.constant 0 : index
    %get3A_0 = arith.constant 0 : index
    %get3A_1 = vector.load %arg1[%get3A, %get3A_0] : memref<1264x128xf32, #tpu.memory_space<vmem>>, vector<1264x128xf32>
    %get3A_2 = arith.constant 0 : index
    %get3A_3 = arith.constant 0 : index
    %get3A_4 = vector.load %arg2[%get3A_2, %get3A_3] : memref<1264x128xf32, #tpu.memory_space<vmem>>, vector<1264x128xf32>
    %add3A = arith.addf %get3A_1, %get3A_4 : vector<1264x128xf32>
    %get3A_5 = arith.constant 0 : index
    %get3A_6 = arith.constant 0 : index
    %get3A_7 = vector.load %arg3[%get3A_5, %get3A_6] : memref<1264x128xf32, #tpu.memory_space<vmem>>, vector<1264x128xf32>
    %slice3A = vector.extract_strided_slice %get3A_7 {offsets = [0, 0], sizes = [1264, 1], strides = [1, 1]} : vector<1264x128xf32> to vector<1264x1xf32>
    %get3A_8 = arith.constant 0 : index
    %get3A_9 = arith.constant 0 : index
    %get3A_10 = vector.load %arg4[%get3A_8, %get3A_9] : memref<1264x128xf32, #tpu.memory_space<vmem>>, vector<1264x128xf32>
    %slice3A_11 = vector.extract_strided_slice %get3A_10 {offsets = [0, 0], sizes = [1264, 1], strides = [1, 1]} : vector<1264x128xf32> to vector<1264x1xf32>
    %add3A_12 = arith.addf %slice3A, %slice3A_11 : vector<1264x1xf32>
    %jit3A = arith.constant 1.000000e+00 : f32
    %max3A = vector.broadcast %jit3A : f32 to vector<1264x1xf32>
    %max3A_13 = arith.maximumf %max3A, %add3A_12 : vector<1264x1xf32>
    %div3A = vector.broadcast %max3A_13 : vector<1264x1xf32> to vector<1264x128xf32>
    %div3A_14 = arith.divf %add3A, %div3A : vector<1264x128xf32>
    %get3A_15 = arith.constant 0 : index
    %get3A_16 = arith.constant 0 : index
    %get3A_17 = vector.load %arg5[%get3A_15, %get3A_16] : memref<1264x128xf32, #tpu.memory_space<vmem>>, vector<1264x128xf32>
    %add3A_18 = arith.addf %div3A_14, %get3A_17 : vector<1264x128xf32>
    %ge3A = arith.constant 0.000000e+00 : f32
    %ge3A_19 = vector.broadcast %ge3A : f32 to vector<1264x128xf32>
    %ge3A_20 = arith.cmpf oge, %add3A_18, %ge3A_19 : vector<1264x128xf32>
    %mul3A = arith.constant 0.229166672 : f32
    %mul3A_21 = vector.broadcast %mul3A : f32 to vector<1264x128xf32>
    %mul3A_22 = arith.mulf %add3A_18, %mul3A_21 : vector<1264x128xf32>
    %select_n3A = arith.select %ge3A_20, %add3A_18, %mul3A_22 : vector<1264x128xi1>, vector<1264x128xf32>
    %mul3A_23 = arith.mulf %select_n3A, %select_n3A : vector<1264x128xf32>
    %reduce_sum3A = arith.constant dense<0.000000e+00> : vector<1264xf32>
    %reduce_sum3A_24 = vector.multi_reduction <add>, %mul3A_23, %reduce_sum3A [1] : vector<1264x128xf32> to vector<1264xf32>
    %broadcast_in_dim3A = vector.shape_cast %reduce_sum3A_24 : vector<1264xf32> to vector<1264x1xf32>
    %sqrt3A = math.sqrt %broadcast_in_dim3A : vector<1264x1xf32>
    %add3A_25 = arith.constant 9.99999996E-13 : f32
    %add3A_26 = vector.broadcast %add3A_25 : f32 to vector<1264x1xf32>
    %add3A_27 = arith.addf %sqrt3A, %add3A_26 : vector<1264x1xf32>
    %div3A_28 = vector.broadcast %add3A_27 : vector<1264x1xf32> to vector<1264x128xf32>
    %div3A_29 = arith.divf %select_n3A, %div3A_28 : vector<1264x128xf32>
    %swap3A = arith.constant 0 : index
    %swap3A_30 = arith.constant 0 : index
    %swap3A_31 = vector.load %arg6[%swap3A, %swap3A_30] : memref<1264x128xf32, #tpu.memory_space<vmem>>, vector<1264x128xf32>
    tpu.vector_store %arg6[%swap3A, %swap3A_30], %div3A_29 {strides = array<i32>} : memref<1264x128xf32, #tpu.memory_space<vmem>>, vector<1264x128xf32>,
    return
  }
  func.func @transform_0(%arg0: i32) -> (i32, i32) {
    %c0_i32 = arith.constant 0 : i32
    %c0_i32_0 = arith.constant 0 : i32
    return %arg0, %c0_i32 : i32, i32
  }
  func.func @transform_1(%arg0: i32) -> (i32, i32) {
    %c0_i32 = arith.constant 0 : i32
    %c0_i32_0 = arith.constant 0 : i32
    return %arg0, %c0_i32 : i32, i32
  }
  func.func @transform_2(%arg0: i32) -> (i32, i32) {
    %c0_i32 = arith.constant 0 : i32
    %c0_i32_0 = arith.constant 0 : i32
    return %arg0, %c0_i32 : i32, i32
  }
  func.func @transform_3(%arg0: i32) -> (i32, i32) {
    %c0_i32 = arith.constant 0 : i32
    %c0_i32_0 = arith.constant 0 : i32
    return %arg0, %c0_i32 : i32, i32
  }
  func.func @transform_4(%arg0: i32) -> (i32, i32) {
    %c0_i32 = arith.constant 0 : i32
    %c0_i32_0 = arith.constant 0 : i32
    return %arg0, %c0_i32 : i32, i32
  }
  func.func @transform_5(%arg0: i32) -> (i32, i32) {
    %c0_i32 = arith.constant 0 : i32
    %c0_i32_0 = arith.constant 0 : i32
    return %arg0, %c0_i32 : i32, i32
  }
}

</mosaic_0001>

<sc_bundles>
// kernel: kernel.10.cloned.1.call-start
scs
__scs_entry_jumppad:
0x0: {  	(pc) =	sbr.rel $0x88, $3  }
0x1: {  	(tag) =	ssettag $0x0;
	lr =	simm.s32 $0x1  }
0x2: {  	[smem:$0x3F99] =	sst lr;
	_ =	strace $0xD0000000  }
0x3: {  	_ = 	snop  }
0x4: {  	_ = 	snop  }
0x5: {  	_ = 	snop  }
0x6: {  	_ = 	snop  }
0x7: {  	_ = 	snop  }
__scs_overlays_trampoline_lowered:
0x8: {  	[smem:$0x3FA8] =	sst s0  }
0x9: {  	[smem:$0x3FA9] =	sst s1  }
0xa: {  	[smem:$0x3FAA] =	sst s2  }
0xb: {  	[smem:$0x3FAB] =	sst s3  }
0xc: {  	[smem:$0x3FAC] =	sst s4  }
0xd: {  	[smem:$0x3FAD] =	sst s5  }
0xe: {  	[smem:$0x3FAE] =	sst s6  }
0xf: {  	[smem:$0x3FAF] =	sst s7  }
0x10: {  	[smem:$0x3FB0] =	sst s8  }
0x11: {  	[smem:$0x3FB1] =	sst s9;
	s0 =	simm.s32 @!p0 $0x0  }
0x12: {  	s1 =	sld [smem:$0x3F97];
	s0 =	simm.s32 @p0 $0x1  }
0x13: {  	[smem:$0x3FB2] =	sst s0;
	s0 =	simm.s32 @!p1 $0x0  }
0x14: {  	s2 =	sld [smem:$0x3F96];
	s0 =	simm.s32 @p1 $0x1  }
0x15: {  	[smem:$0x3FB3] =	sst s0;
	s0 =	simm.s32 @!p2 $0x0  }
0x16: {  	s3 =	sld [smem:$0x3FDB];
	s0 =	simm.s32 @p2 $0x1  }
0x17: {  	s4 =	simm.s32 $0x1BF5;
	[smem:$0x3FB5] =	sst s0  }
0x18: {  	s0 =	sld [smem:$0x3F98];
	_ =	swait.ge [sflag:s4], $0x0  }
0x19: {  	s7 =	sld [smem:$0x3F99]  }
0x1a: {  	s8 =	sadd.s32 $0xFFFFE003, lr  }
0x1b: {  	s9 =	sadd.s32 $0xFFFFFEF7, lr;
	s5 =	simm.s32 $0xFFFFFFFF;
	p2 =	slt.u32 s8, $0xFFFFF086  }
0x1c: {  	p1 =	slt.u32 s9, $0xF7A;
	s5 =	simm.s32 @!p2 $0x0  }
0x1d: {  	s5 =	simm.s32 @p1 $0x1;
	p0 =	seq.s32 s7, s2  }
0x1e: {  	s7 =	smul.u32 @!p0 $0xF7A, s2;
	p2 =	seq.s32 @!p0 s5, $0x0  }
0x1f: {  	s9 =	smul.u32 $0xF7A, s1;
	s8 =	simm.s32 @!p0 $0x1BF5;
	p2 =	por !p2, p0  }
0x20: {  	[sflag:s8] =	ssyncset.s32 @!p0 $0xFFFFF086;
	s6 =	sadd.s32 @!p0 s3, s7;
	s7 =	simm.s32 @!p0 $0x108  }
0x21: {  	s3 =	sadd.s32 s3, s9;
	s6 =	sadd.s32 @!p0 $0x88, s6;
	s7 =	simm.s32 @p2 $0x1082  }
0x22: {  	[simem:s7], [sflag:s8] =	dma.local @!p0 [hbm:s6], $0xF7A  }
0x23: {  	s9 =	sor.u32 $0xD0000000, s2;
	s6 =	simm.s32 $0x108;
	_ =	swait.ge @!p0 [sflag:s8], $0x0  }
0x24: {  	s3 =	sadd.s32 $0x88, s3;
	s6 =	simm.s32 @!p1 $0x1082;
	[sflag:s4] =	ssyncset.s32 $0xFFFFF086  }
0x25: {  	[simem:s6], [sflag:s4] =	dma.local [hbm:s3], $0xF7A  }
0x26: {  	[smem:$0x3F99] =	sst s1;
	(tag) =	ssettag s2;
	_ =	strace s9  }
0x27: {  	s1 =	sld [smem:$0x3FA9]  }
0x28: {  	s2 =	sld [smem:$0x3FAA]  }
0x29: {  	s4 =	sld [smem:$0x3FAC]  }
0x2a: {  	p0 =	seq.s32 s5, $0x0;
	s5 =	sld [smem:$0x3FAD]  }
0x2b: {  	s6 =	sld [smem:$0x3FAE]  }
0x2c: {  	s7 =	sld [smem:$0x3FAF]  }
0x2d: {  	s3 =	simm.s32 $0x108;
	s8 =	sld [smem:$0x3FB0]  }
0x2e: {  	s3 =	simm.s32 @!p0 $0x1082;
	s9 =	sld [smem:$0x3FB1]  }
0x2f: {  	lr =	sadd.s32 s0, s3;
	s0 =	sld [smem:$0x3FA8]  }
0x30: {  	s3 =	sld [smem:$0x3FAB]  }
0x31: {  	[smem:$0x3FB4] =	sst s10  }
0x32: {  	s10 =	sld [smem:$0x3FB2];
	_ =	sdelay $0x3  }
0x33: {  	p0 =	seq.s32 s10, $0x1;
	s10 =	sld [smem:$0x3FB4];
	_ =	sdelay $0x3  }
0x34: {  	[smem:$0x3FB4] =	sst s10  }
0x35: {  	s10 =	sld [smem:$0x3FB3];
	_ =	sdelay $0x3  }
0x36: {  	p1 =	seq.s32 s10, $0x1;
	s10 =	sld [smem:$0x3FB4];
	_ =	sdelay $0x3  }
0x37: {  	[smem:$0x3FB4] =	sst s10  }
0x38: {  	s10 =	sld [smem:$0x3FB5]  }
0x39: {  	_ = 	snop;
	(pc) =	sbr.ind lr, $3  }
0x3a: {  	_ = 	snop  }
0x3b: {  	_ = 	snop  }
0x3c: {  	p2 =	seq.s32 s10, $0x1;
	s10 =	sld [smem:$0x3FB4]  }
0x3d: {  	_ =	shalt  }
0x3e: {  	_ =	shalt  }
0x3f: {  	_ =	shalt  }
0x40: {  	_ =	shalt  }
0x41: {  	_ =	shalt  }
0x42: {  	_ =	shalt  }
0x43: {  	_ =	shalt  }
0x44: {  	_ =	shalt  }
0x45: {  	_ =	shalt  }
0x46: {  	_ =	shalt  }
0x47: {  	_ =	shalt  }
0x48: {  	_ =	shalt  }
0x49: {  	_ =	shalt  }
0x4a: {  	_ =	shalt  }
0x4b: {  	_ =	shalt  }
0x4c: {  	_ =	shalt  }
0x4d: {  	_ =	shalt  }
0x4e: {  	_ =	shalt  }
0x4f: {  	_ =	shalt  }
0x50: {  	_ =	shalt  }
0x51: {  	_ =	shalt  }
0x52: {  	_ =	shalt  }
0x53: {  	_ =	shalt  }
0x54: {  	_ =	shalt  }
0x55: {  	_ =	shalt  }
0x56: {  	_ =	shalt  }
0x57: {  	_ =	shalt  }
0x58: {  	_ =	shalt  }
0x59: {  	_ =	shalt  }
0x5a: {  	_ =	shalt  }
0x5b: {  	_ =	shalt  }
0x5c: {  	_ =	shalt  }
0x5d: {  	_ =	shalt  }
0x5e: {  	_ =	shalt  }
0x5f: {  	_ =	shalt  }
0x60: {  	_ =	shalt  }
0x61: {  	_ =	shalt  }
0x62: {  	_ =	shalt  }
0x63: {  	_ =	shalt  }
0x64: {  	_ =	shalt  }
0x65: {  	_ =	shalt  }
0x66: {  	_ =	shalt  }
0x67: {  	_ =	shalt  }
0x68: {  	_ =	shalt  }
0x69: {  	_ =	shalt  }
0x6a: {  	_ =	shalt  }
0x6b: {  	_ =	shalt  }
0x6c: {  	_ =	shalt  }
0x6d: {  	_ =	shalt  }
0x6e: {  	_ =	shalt  }
0x6f: {  	_ =	shalt  }
0x70: {  	_ =	shalt  }
0x71: {  	_ =	shalt  }
0x72: {  	_ =	shalt  }
0x73: {  	_ =	shalt  }
0x74: {  	_ =	shalt  }
0x75: {  	_ =	shalt  }
0x76: {  	_ =	shalt  }
0x77: {  	_ =	shalt  }
0x78: {  	_ =	shalt  }
0x79: {  	_ =	shalt  }
0x7a: {  	_ =	shalt  }
0x7b: {  	_ =	shalt  }
0x7c: {  	_ =	shalt  }
0x7d: {  	_ =	shalt  }
0x7e: {  	_ =	shalt  }
0x7f: {  	_ =	shalt  }
0x80: {  	_ =	shalt  }
0x81: {  	_ =	shalt  }
0x82: {  	_ =	shalt  }
0x83: {  	_ =	shalt  }
0x84: {  	_ =	shalt  }
0x85: {  	_ =	shalt  }
0x86: {  	_ =	shalt  }
0x87: {  	_ =	shalt  }
.Lfunc_end0:
.L_simem_size_0:
called_computation_lowered:
.L_overlay_start_0:
0x88: {  	s2 =	sld [smem:$0x3FD9]  }
0x89: {  	s3 =	sld [smem:$0x3FFE];
	_ =	sdelay $0x1  }
0x8a: {  	s1 =	srdreg.scid  }
0x8b: {  	s0 =	sand.u32 $0x1, s1  }
0x8c: {  	s17 =	sshll.u32 s0, $0xA;
	s2 =	sadd.s32 s3, s2  }
0x8d: {  	s2 =	sadd.s32 s2, s17  }
0x8e: {  	[smem:$0x3FC0] =	sst s2  }
0x8f: {  	_ = 	snop  }
0x90: {  	(tm) =	ssettm $0x1  }
0x91: {  	s18 =	sld [smem:$0x3FFB];
	_ =	sdelay $0x3  }
0x92: {  	_ =	strace s18  }
0x93: {  	s2 =	sld [smem:$0x3FFC];
	_ =	sdelay $0x3  }
0x94: {  	_ =	strace s2  }
0x95: {  	s2 =	sld [smem:$0x3FFD];
	_ =	sdelay $0x3  }
0x96: {  	_ =	strace s2  }
0x97: {  	_ =	strace $0x8FFFFFFF  }
0x98: {  	s19 =	sld [smem:$0x3FDB];
	_ =	sdelay $0x1  }
0x99: {  	s20 =	simm.s32 $_scs_section_size  }
0x9a: {  	s4 =	simm.s32 $_size__tile_overlayer_lowered;
	s5 =	simm.s32 $_tile_overlayer_lowered  }
0x9b: {  	s6 =	simm.s32 $0x1BFF;
	s21 =	sshll.u32 s5, $0x1;
	s3 =	sadd.s32 s20, s19  }
0x9c: {  	s22 =	simm.s32 $0x0;
	s4 =	sshll.u32 s4, $0x1;
	s5 =	sadd.s32 s21, s3  }
0x9d: {  	[timem:s22], [sflag:s6] =	dma.local [hbm:s5], s4  }
0x9e: {  	_ =	swait.ge [sflag:s6], s4  }
0x9f: {  	s4 =	ssub.s32 $0x0, s4;
	[sflag:s6] =	ssyncset.done $0x0  }
0xa0: {  	[sflag:s6] =	ssyncadd.s32 s4;
	_ =	sdelay $0x1  }
0xa1: {  	s23 =	simm.s32 $0x1B8B  }
0xa2: {  	_ =	swait.ge [sflag:s23], $0x1  }
0xa3: {  	[sflag:s23] =	ssyncset.done $0x0  }
0xa4: {  	[sflag:s23] =	ssyncadd.s32 $0xFFFFFFFF  }
0xa5: {  	s4 =	sld [smem:$0x0]  }
0xa6: {  	s5 =	sand.u32 $0xFFFFFFFE, s1  }
0xa7: {  	p0 =	sne.s32 s1, s5  }
0xa8: {  	s5 =	sshll.u32 @p0 s5, $0xE  }
0xa9: {  	s5 =	sadd.s32 @p0 $0x11B8D, s5;
	s6 =	sshll.u32 @p0 s4, $0x11  }
0xaa: {  	s5 =	sor.u32 @p0 s6, s5  }
0xab: {  	[sflag:s5] =	ssyncadd.remote.s32 @p0 $0x1;
	_ =	sdelay $0x1  }
0xac: {  	s5 =	simm.s32 @p0 $0x1B8D  }
0xad: {  	_ =	swait.eq @p0 [sflag:s5], $0x1  }
0xae: {  	[sflag:s5] =	ssyncadd.s32 @p0 $0xFFFFFFFF  }
0xaf: {  	s6 =	sshll.u32 @!p0 s1, $0xE  }
0xb0: {  	s6 =	sor.u32 @!p0 $0x4000, s6;
	s5 =	simm.s32 @!p0 $0x1B8D  }
0xb1: {  	s4 =	sshll.u32 @!p0 s4, $0x11;
	s6 =	sadd.s32 @!p0 $0x11B8D, s6;
	_ =	swait.eq @!p0 [sflag:s5], $0x1  }
0xb2: {  	s4 =	sor.u32 @!p0 s4, s6;
	[sflag:s5] =	ssyncadd.s32 @!p0 $0xFFFFFFFF  }
0xb3: {  	s25 =	simm.s32 $0x1B8E;
	s24 =	sld [smem:$0x3FFE];
	[sflag:s4] =	ssyncadd.remote.s32 @!p0 $0x1  }
0xb4: {  	s26 =	simm.s32 $execute0_lowered;
	[smem:$0x3FD2] =	sst s25  }
0xb5: {  	s5 =	sshll.u32 s26, $0x1;
	_ =	strace $0x80000049;
	[dreg:$0x1] =	wrdreg $0xFFFFFFFF  }
0xb6: {  	s28 =	simm.s32 $_size_execute0_lowered;
	s3 =	sadd.s32 s3, s5;
	[dreg:$0x0] =	wrdreg $0x0  }
0xb7: {  	s5 =	sshll.u32 s28, $0x1;
	[dreg:$0x2] =	wrdreg s3  }
0xb8: {  	[dreg:$0x3] =	wrdreg s5  }
0xb9: {  	[dreg:$0x4] =	wrdreg $0xC0  }
0xba: {  	_ =	task [dreg:s22], $0x5FFFF  }
0xbb: {  	[dreg:$0x1] =	wrdreg $0xFFFFFFFF  }
0xbc: {  	[dreg:$0x0] =	wrdreg $0x60  }
0xbd: {  	[dreg:$0x2] =	wrdreg s24  }
0xbe: {  	[dreg:$0x3] =	wrdreg $0x40800  }
0xbf: {  	[dreg:$0x4] =	wrdreg $0x9  }
0xc0: {  	_ =	task.clear_ibuf [dreg:s22], $0x5FFFF;
	_ =	strace $0x90000049  }
0xc1: {  	s29 =	simm.s32 $0x9;
	_ =	strace $0x8000004B  }
0xc2: {  	_ =	swait.ge [sflag:s29], $0x1  }
0xc3: {  	[sflag:s29] =	ssyncadd.s32 $0xFFFFFFFF  }
0xc4: {  	_ =	strace $0x9000004B  }
0xc5: {  	_ =	sfence  }
0xc6: {  	s30 =	sld [smem:$0x0];
	_ =	sdelay $0x2  }
0xc7: {  	s31 =	sshll.u32 s1, $0xD;
	s1 =	sshrl.u32 s1, $0x2  }
0xc8: {  	s4 =	sand.u32 $0x4000, s31;
	s1 =	sadd.s32 s1, s30  }
0xc9: {  	s0 =	sor.u32 s4, s0;
	s1 =	sshll.u32 s1, $0x11  }
0xca: {  	s0 =	sor.u32 s1, s0  }
0xcb: {  	s0 =	sadd.s32 $0x8F2B, s0  }
0xcc: {  	[sflag:s0] =	ssyncadd.remote.s32 $0x1  }
0xcd: {  	_ =	sfence.sel $0xFFFF  }
0xce: {  	[dreg:$0x0] =	wrdreg $0xFFFFFFFF;
	(pc) =	sbr.abs _section_cstart, $3  }
0xcf: {  	[dreg:$0x1] =	wrdreg $0xFFFFFFFF  }
0xd0: {  	_ =	task.clear_ibuf [dreg:s22], $0x2FFFF;
	_ =	strace $0x9FFFFFFF  }
0xd1: {  	(tm) =	ssettm $0x7FFFFFFF  }
tec
execute0_lowered:
.L_overlay_start_1:
0x0: {  	(tag) =	ssettag $0x1  }
0x1: {  	s0 =	srdreg.scid;
	s4 =	rddreg [dreg:$0x0]  }
0x2: {  	s2 =	rddreg [dreg:$0x1];
	s5 =	sand.u32 $0x1, s0  }
0x3: {  	s0 =	stileid.u32;
	s6 =	smul.u32 $0x27400, s5  }
0x4: {  	s1 =	rddreg [dreg:$0x2];
	s3 =	simm.s32 $0x0;
	s7 =	smul.u32 $0x2740, s0  }
0x5: {  	s17 =	simm.s32 $0x2080;
	s18 =	simm.s32 $0x1;
	s8 =	smul.u32 $0x278, s0  }
0x6: {  	s19 =	simm.s32 $0x40;
	s20 =	simm.s32 $0x80;
	s28 =	smul.u32 $0x2780, s5  }
0x7: {  	s23 =	simm.s32 $0x0;
	[smem:$0x7FF] =	sst s3;
	s9 =	smul.u32 $0x4F000, s0  }
0x8: {  	_ =	strace $0x8000004A;
	s5 =	ssub.s32 $0x2, s5;
	s21 =	sshll.u32 s0, $0x6  }
0x9: {  	s31 =	sshrl.u32 s5, $0x1;
	s21 =	sor.u32 $0x1C01, s21;
	s6 =	sadd.s32 s7, s6  }
0xa: {  	s29 =	sadd.s32 s8, s28;
	s30 =	sshrl.u32 s9, $0x2;
	s6 =	sshrl.u32 s6, $0x3  }
0xb: {  	s15 =	ssub.s32 s5, s31;
	s16 =	sadd.s32 s6, s4;
	s6 =	sshll.u32 s29, $0x4  }
0xc: {  	s15 =	smax.u32 s15, $0x1;
	s14 =	sadd.s32 s6, s4;
	s4 =	sadd.s32 s30, s2  }
0xd: {  	s16 =	sadd.s32 $0xB5600, s16;
	s5 =	sadd.s32 $0x2000, s4;
	s6 =	sadd.s32 $0x4000, s4  }
0xe: {  	s7 =	sadd.s32 $0x6000, s4;
	s8 =	sadd.s32 $0x8000, s4;
	s9 =	sadd.s32 $0xA000, s4  }
0xf: {  	s10 =	sadd.s32 $0xC000, s4;
	s11 =	sadd.s32 $0xE000, s4;
	s12 =	sadd.s32 $0x10000, s4  }
0x10: {  	v0 =	vimm.f32 $0.0e+00;
	v1 =	vimm.f32 $1.000000000e+00;
	s13 =	sadd.s32 $0x12000, s4;
	s14 =	sadd.s32 $0xBF400, s14;
	s22 =	sshrl.u32 s4, $0x3  }
.LBB2_1:
0x11: {  	s24 =	simm.s32 $0x0;
	s25 =	simm.s32 $0x200  }
.LBB2_2:
0x12: {  	p0 =	sne.s32 s25, $0x7E00;
	[tilespmem:s24+$0xF0] =	vst v1  }
0x13: {  	[tilespmem:s24+$0x2080] =	vst v0  }
0x14: {  	[tilespmem:s24+$0x80] =	vst v1  }
0x15: {  	[tilespmem:s24+$0x2090] =	vst v0  }
0x16: {  	[tilespmem:s24+$0x90] =	vst v1  }
0x17: {  	[tilespmem:s24+$0x20A0] =	vst v0  }
0x18: {  	[tilespmem:s24+$0xA0] =	vst v1  }
0x19: {  	[tilespmem:s24+$0x20B0] =	vst v0  }
0x1a: {  	[tilespmem:s24+$0xB0] =	vst v1  }
0x1b: {  	[tilespmem:s24+$0x20C0] =	vst v0  }
0x1c: {  	[tilespmem:s24+$0xC0] =	vst v1  }
.Ltmp0:
0x1d: {  	[tilespmem:s24+$0x20D0] =	vst v0;
	(pc) =	sbr.rel @p0 .LBB2_2-.Ltmp0, $4  }
0x1e: {  	[tilespmem:s24+$0xD0] =	vst v1  }
0x1f: {  	[tilespmem:s24+$0x20E0] =	vst v0  }
0x20: {  	[tilespmem:s24+$0xE0] =	vst v1  }
0x21: {  	[tilespmem:s24+$0x20F0] =	vst v0;
	s24 =	sshra.s32 s25, $0x2;
	s25 =	sadd.s32 $0x200, s25  }
0x22: {  	[tilespmem:s24+$0xF0] =	vst v1  }
0x23: {  	[tilespmem:s24+$0x2080] =	vst v0  }
0x24: {  	[tilespmem:s24+$0x80] =	vst v1  }
0x25: {  	[tilespmem:s24+$0x2090] =	vst v0  }
0x26: {  	[tilespmem:s24+$0x90] =	vst v1  }
0x27: {  	[tilespmem:s24+$0x20A0] =	vst v0  }
0x28: {  	[tilespmem:s24+$0xA0] =	vst v1  }
0x29: {  	[tilespmem:s24+$0x20B0] =	vst v0  }
0x2a: {  	[tilespmem:s24+$0xB0] =	vst v1  }
0x2b: {  	[tilespmem:s24+$0x20C0] =	vst v0  }
0x2c: {  	[tilespmem:s24+$0xC0] =	vst v1  }
0x2d: {  	[tilespmem:s24+$0x20D0] =	vst v0  }
0x2e: {  	[tilespmem:s24+$0xD0] =	vst v1  }
0x2f: {  	[tilespmem:s24+$0x20E0] =	vst v0  }
0x30: {  	[tilespmem:s24+$0xE0] =	vst v1  }
0x31: {  	[tilespmem:s24+$0x20F0] =	vst v0  }
0x32: {  	[spmem:s4] =	stream.linear.scatter [tilespmem:s17], [sflag:$0x1], $0x2000, $0x38;
	[tilespmem:$0x17C80] =	vst v63  }
0x33: {  	_ =	swait.ge [sflag:s18], $0x2000  }
0x34: {  	[sflag:s18] =	ssyncset.done $0x0  }
0x35: {  	[sflag:s18] =	ssyncadd.s32 $0xFFFFE000  }
0x36: {  	[spmem:s5] =	stream.linear.scatter [tilespmem:s17], [sflag:$0x1], $0x2000, $0x38;
	[tilespmem:$0x17C80] =	vst v63  }
0x37: {  	_ =	swait.ge [sflag:s18], $0x2000  }
0x38: {  	[sflag:s18] =	ssyncset.done $0x0  }
0x39: {  	[sflag:s18] =	ssyncadd.s32 $0xFFFFE000  }
0x3a: {  	[spmem:s6] =	stream.linear.scatter [tilespmem:s17], [sflag:$0x1], $0x2000, $0x38;
	[tilespmem:$0x17C80] =	vst v63  }
0x3b: {  	_ =	swait.ge [sflag:s18], $0x2000  }
0x3c: {  	[sflag:s18] =	ssyncset.done $0x0  }
0x3d: {  	[sflag:s18] =	ssyncadd.s32 $0xFFFFE000  }
0x3e: {  	[spmem:s7] =	stream.linear.scatter [tilespmem:s17], [sflag:$0x1], $0x2000, $0x38;
	[tilespmem:$0x17C80] =	vst v63  }
0x3f: {  	_ =	swait.ge [sflag:s18], $0x2000  }
0x40: {  	[sflag:s18] =	ssyncset.done $0x0  }
0x41: {  	[sflag:s18] =	ssyncadd.s32 $0xFFFFE000  }
0x42: {  	[spmem:s8] =	stream.linear.scatter [tilespmem:s17], [sflag:$0x1], $0x2000, $0x38;
	[tilespmem:$0x17C80] =	vst v63  }
0x43: {  	_ =	swait.ge [sflag:s18], $0x2000  }
0x44: {  	[sflag:s18] =	ssyncset.done $0x0  }
0x45: {  	[sflag:s18] =	ssyncadd.s32 $0xFFFFE000  }
0x46: {  	[spmem:s9] =	stream.linear.scatter [tilespmem:s17], [sflag:$0x1], $0x2000, $0x38;
	[tilespmem:$0x17C80] =	vst v63  }
0x47: {  	_ =	swait.ge [sflag:s18], $0x2000  }
0x48: {  	[sflag:s18] =	ssyncset.done $0x0  }
0x49: {  	[sflag:s18] =	ssyncadd.s32 $0xFFFFE000  }
0x4a: {  	[spmem:s10] =	stream.linear.scatter [tilespmem:s17], [sflag:$0x1], $0x2000, $0x38;
	[tilespmem:$0x17C80] =	vst v63  }
0x4b: {  	_ =	swait.ge [sflag:s18], $0x2000  }
0x4c: {  	[sflag:s18] =	ssyncset.done $0x0  }
0x4d: {  	[sflag:s18] =	ssyncadd.s32 $0xFFFFE000  }
0x4e: {  	[spmem:s11] =	stream.linear.scatter [tilespmem:s17], [sflag:$0x1], $0x2000, $0x38;
	[tilespmem:$0x17C80] =	vst v63  }
0x4f: {  	_ =	swait.ge [sflag:s18], $0x2000  }
0x50: {  	[sflag:s18] =	ssyncset.done $0x0  }
0x51: {  	[sflag:s18] =	ssyncadd.s32 $0xFFFFE000  }
0x52: {  	[spmem:s12] =	stream.linear.scatter [tilespmem:s17], [sflag:$0x1], $0x2000, $0x38;
	[tilespmem:$0x17C80] =	vst v63  }
0x53: {  	_ =	swait.ge [sflag:s18], $0x2000  }
0x54: {  	[sflag:s18] =	ssyncset.done $0x0  }
0x55: {  	[sflag:s18] =	ssyncadd.s32 $0xFFFFE000  }
0x56: {  	[spmem:s13] =	stream.linear.scatter [tilespmem:s17], [sflag:$0x1], $0x1C00, $0x38;
	[tilespmem:$0x17C80] =	vst v63  }
0x57: {  	_ =	swait.ge [sflag:s18], $0x1C00  }
0x58: {  	[sflag:s18] =	ssyncset.done $0x0  }
0x59: {  	[sflag:s18] =	ssyncadd.s32 $0xFFFFE400  }
0x5a: {  	s31 =	sadd.s32 $0x0, s16;
	[bflag:$0x0] =	sbarrier.arrive $0xFFFF  }
0x5b: {  	[tilespmem:s3], [sflag:$0x1] =	stream.linear.gather [hbm4b:s31+s3], $0x40, $0x38;
	[tilespmem:$0x17C80] =	vst v63  }
0x5c: {  	_ =	swait.ge [sflag:s18], $0x40  }
0x5d: {  	[sflag:s18] =	ssyncset.done $0x0  }
0x5e: {  	[sflag:s18] =	ssyncadd.s32 $0xFFFFFFC0  }
0x5f: {  	[spmem:s2] =	stream.indirect.scatter.add.f32 [tilespmem:s20], [sflag:$0x1], $0x80, s3, s19, $0xb8;
	[tilespmem:$0x17C80] =	vst v63  }
0x60: {  	_ =	swait.ge [sflag:s18], $0x2000  }
0x61: {  	s24 =	simm.s32 $0x8;
	s25 =	simm.s32 $0x10;
	[sflag:s18] =	ssyncset.done $0x0  }
.LBB2_4:
0x62: {  	s26 =	sadd.s32 s24, s16  }
0x63: {  	[sflag:s18] =	ssyncadd.s32 $0xFFFFE000;
	s24 =	smov.u32 s25;
	s28 =	sadd.s32 $0x8, s25  }
0x64: {  	[tilespmem:s3], [sflag:$0x1] =	stream.linear.gather [hbm4b:s26+s3], $0x40, $0x38;
	[tilespmem:$0x17C80] =	vst v63  }
0x65: {  	p0 =	sne.s32 s25, $0x4E0;
	_ =	swait.ge [sflag:s18], $0x40  }
.Ltmp1:
0x66: {  	[sflag:s18] =	ssyncset.done $0x0;
	(pc) =	sbr.rel @p0 .LBB2_4-.Ltmp1, $4  }
0x67: {  	[sflag:s18] =	ssyncadd.s32 $0xFFFFFFC0  }
0x68: {  	[spmem:s2] =	stream.indirect.scatter.add.f32 [tilespmem:s20], [sflag:$0x1], $0x80, s3, s19, $0xb8;
	[tilespmem:$0x17C80] =	vst v63  }
0x69: {  	_ =	swait.ge [sflag:s18], $0x2000  }
0x6a: {  	s25 =	smov.u32 s28;
	[sflag:s18] =	ssyncset.done $0x0  }
0x6b: {  	s24 =	sadd.s32 s24, s16;
	[sflag:s18] =	ssyncadd.s32 $0xFFFFE000  }
0x6c: {  	[tilespmem:s3], [sflag:$0x1] =	stream.linear.gather [hbm4b:s24+s3], $0x40, $0x38;
	[tilespmem:$0x17C80] =	vst v63  }
0x6d: {  	_ =	swait.ge [sflag:s18], $0x40  }
0x6e: {  	[sflag:s18] =	ssyncset.done $0x0  }
0x6f: {  	[sflag:s18] =	ssyncadd.s32 $0xFFFFFFC0  }
0x70: {  	[spmem:s2] =	stream.indirect.scatter.add.f32 [tilespmem:s20], [sflag:$0x1], $0x80, s3, s19, $0xb8;
	[tilespmem:$0x17C80] =	vst v63  }
0x71: {  	_ =	swait.ge [sflag:s18], $0x2000  }
0x72: {  	s23 =	sadd.s32 $0x1, s23;
	[sflag:s18] =	ssyncset.done $0x0  }
0x73: {  	p0 =	sne.s32 s23, s15;
	[sflag:s18] =	ssyncadd.s32 $0xFFFFE000  }
.Ltmp2:
0x74: {  	[bflag:$0x0] =	sbarrier.arrive $0xFFFF;
	(pc) =	sbr.rel @p0 .LBB2_1-.Ltmp2, $4  }
0x75: {  	[hbm:s14], [sflag:s21] =	dma.local [spmem:s22], $0x2780  }
0x76: {  	_ =	swait.ge [sflag:s18], $0x2780  }
0x77: {  	[sflag:s18] =	ssyncset.done $0x0  }
0x78: {  	[sflag:s18] =	ssyncadd.s32 $0xFFFFD880  }
0x79: {  	_ =	sfence.sel $0x180000  }
0x7a: {  	[bflag:$0x0] =	sbarrier.arrive $0xFFFF  }
0x7b: {  	p0 =	sne.s32 s0, $0x0;
	_ =	strace $0x9000004A  }
0x7c: {  	s0 =	sadd.s32 @!p0 $0x100000, s1;
	[bflag:$0x2] =	sbarrier.arrive $0xFFFF  }
0x7d: {  	[sflag:s0] =	ssyncadd.tile.s32 @!p0 $0x1;
	_ =	shalt  }
.Lfunc_end2:
_tile_overlayer_lowered:
.L_overlay_start_2:
0x7e: {  	(tag) =	ssettag $0x2  }
0x7f: {  	s0 =	rddreg [dreg:$0x0];
	s2 =	stileid.u32  }
0x80: {  	s1 =	rddreg [dreg:$0x1];
	p0 =	sne.s32 s2, $0x0  }
0x81: {  	s3 =	rddreg [dreg:$0x2];
	[bflag:$0x3] =	sbarrier.arrive $0xFFFF;
	s2 =	simm.s32 @!p0 $0x1C01  }
0x82: {  	[timem:s3], [sflag:s2] =	dma.local @!p0 [hbm:s0], s1  }
0x83: {  	s0 =	simm.s32 @!p0 $0x1  }
0x84: {  	_ =	swait.ge @!p0 [sflag:s0], s1  }
0x85: {  	s1 =	ssub.s32 @!p0 $0x0, s1;
	[sflag:s0] =	ssyncset.done @!p0 $0x0  }
0x86: {  	[sflag:s0] =	ssyncadd.s32 @!p0 s1  }
0x87: {  	[bflag:$0x3] =	sbarrier.arrive $0xFFFF  }
0x88: {  	_ =	shalt  }

// kernel: kernel.13.cloned.1.call-start
scs
__scs_entry_jumppad:
0x0: {  	(pc) =	sbr.rel $0x88, $3  }
0x1: {  	(tag) =	ssettag $0x0;
	lr =	simm.s32 $0x1  }
0x2: {  	[smem:$0x3F99] =	sst lr;
	_ =	strace $0xD0000000  }
0x3: {  	_ = 	snop  }
0x4: {  	_ = 	snop  }
0x5: {  	_ = 	snop  }
0x6: {  	_ = 	snop  }
0x7: {  	_ = 	snop  }
__scs_overlays_trampoline_lowered:
0x8: {  	[smem:$0x3FA8] =	sst s0  }
0x9: {  	[smem:$0x3FA9] =	sst s1  }
0xa: {  	[smem:$0x3FAA] =	sst s2  }
0xb: {  	[smem:$0x3FAB] =	sst s3  }
0xc: {  	[smem:$0x3FAC] =	sst s4  }
0xd: {  	[smem:$0x3FAD] =	sst s5  }
0xe: {  	[smem:$0x3FAE] =	sst s6  }
0xf: {  	[smem:$0x3FAF] =	sst s7  }
0x10: {  	[smem:$0x3FB0] =	sst s8  }
0x11: {  	[smem:$0x3FB1] =	sst s9;
	s0 =	simm.s32 @!p0 $0x0  }
0x12: {  	s1 =	sld [smem:$0x3F97];
	s0 =	simm.s32 @p0 $0x1  }
0x13: {  	[smem:$0x3FB2] =	sst s0;
	s0 =	simm.s32 @!p1 $0x0  }
0x14: {  	s2 =	sld [smem:$0x3F96];
	s0 =	simm.s32 @p1 $0x1  }
0x15: {  	[smem:$0x3FB3] =	sst s0;
	s0 =	simm.s32 @!p2 $0x0  }
0x16: {  	s3 =	sld [smem:$0x3FDB];
	s0 =	simm.s32 @p2 $0x1  }
0x17: {  	s4 =	simm.s32 $0x1BF5;
	[smem:$0x3FB5] =	sst s0  }
0x18: {  	s0 =	sld [smem:$0x3F98];
	_ =	swait.ge [sflag:s4], $0x0  }
0x19: {  	s7 =	sld [smem:$0x3F99]  }
0x1a: {  	s8 =	sadd.s32 $0xFFFFE003, lr  }
0x1b: {  	s9 =	sadd.s32 $0xFFFFFEF7, lr;
	s5 =	simm.s32 $0xFFFFFFFF;
	p2 =	slt.u32 s8, $0xFFFFF086  }
0x1c: {  	p1 =	slt.u32 s9, $0xF7A;
	s5 =	simm.s32 @!p2 $0x0  }
0x1d: {  	s5 =	simm.s32 @p1 $0x1;
	p0 =	seq.s32 s7, s2  }
0x1e: {  	s7 =	smul.u32 @!p0 $0xF7A, s2;
	p2 =	seq.s32 @!p0 s5, $0x0  }
0x1f: {  	s9 =	smul.u32 $0xF7A, s1;
	s8 =	simm.s32 @!p0 $0x1BF5;
	p2 =	por !p2, p0  }
0x20: {  	[sflag:s8] =	ssyncset.s32 @!p0 $0xFFFFF086;
	s6 =	sadd.s32 @!p0 s3, s7;
	s7 =	simm.s32 @!p0 $0x108  }
0x21: {  	s3 =	sadd.s32 s3, s9;
	s6 =	sadd.s32 @!p0 $0x88, s6;
	s7 =	simm.s32 @p2 $0x1082  }
0x22: {  	[simem:s7], [sflag:s8] =	dma.local @!p0 [hbm:s6], $0xF7A  }
0x23: {  	s9 =	sor.u32 $0xD0000000, s2;
	s6 =	simm.s32 $0x108;
	_ =	swait.ge @!p0 [sflag:s8], $0x0  }
0x24: {  	s3 =	sadd.s32 $0x88, s3;
	s6 =	simm.s32 @!p1 $0x1082;
	[sflag:s4] =	ssyncset.s32 $0xFFFFF086  }
0x25: {  	[simem:s6], [sflag:s4] =	dma.local [hbm:s3], $0xF7A  }
0x26: {  	[smem:$0x3F99] =	sst s1;
	(tag) =	ssettag s2;
	_ =	strace s9  }
0x27: {  	s1 =	sld [smem:$0x3FA9]  }
0x28: {  	s2 =	sld [smem:$0x3FAA]  }
0x29: {  	s4 =	sld [smem:$0x3FAC]  }
0x2a: {  	p0 =	seq.s32 s5, $0x0;
	s5 =	sld [smem:$0x3FAD]  }
0x2b: {  	s6 =	sld [smem:$0x3FAE]  }
0x2c: {  	s7 =	sld [smem:$0x3FAF]  }
0x2d: {  	s3 =	simm.s32 $0x108;
	s8 =	sld [smem:$0x3FB0]  }
0x2e: {  	s3 =	simm.s32 @!p0 $0x1082;
	s9 =	sld [smem:$0x3FB1]  }
0x2f: {  	lr =	sadd.s32 s0, s3;
	s0 =	sld [smem:$0x3FA8]  }
0x30: {  	s3 =	sld [smem:$0x3FAB]  }
0x31: {  	[smem:$0x3FB4] =	sst s10  }
0x32: {  	s10 =	sld [smem:$0x3FB2];
	_ =	sdelay $0x3  }
0x33: {  	p0 =	seq.s32 s10, $0x1;
	s10 =	sld [smem:$0x3FB4];
	_ =	sdelay $0x3  }
0x34: {  	[smem:$0x3FB4] =	sst s10  }
0x35: {  	s10 =	sld [smem:$0x3FB3];
	_ =	sdelay $0x3  }
0x36: {  	p1 =	seq.s32 s10, $0x1;
	s10 =	sld [smem:$0x3FB4];
	_ =	sdelay $0x3  }
0x37: {  	[smem:$0x3FB4] =	sst s10  }
0x38: {  	s10 =	sld [smem:$0x3FB5]  }
0x39: {  	_ = 	snop;
	(pc) =	sbr.ind lr, $3  }
0x3a: {  	_ = 	snop  }
0x3b: {  	_ = 	snop  }
0x3c: {  	p2 =	seq.s32 s10, $0x1;
	s10 =	sld [smem:$0x3FB4]  }
0x3d: {  	_ =	shalt  }
0x3e: {  	_ =	shalt  }
0x3f: {  	_ =	shalt  }
0x40: {  	_ =	shalt  }
0x41: {  	_ =	shalt  }
0x42: {  	_ =	shalt  }
0x43: {  	_ =	shalt  }
0x44: {  	_ =	shalt  }
0x45: {  	_ =	shalt  }
0x46: {  	_ =	shalt  }
0x47: {  	_ =	shalt  }
0x48: {  	_ =	shalt  }
0x49: {  	_ =	shalt  }
0x4a: {  	_ =	shalt  }
0x4b: {  	_ =	shalt  }
0x4c: {  	_ =	shalt  }
0x4d: {  	_ =	shalt  }
0x4e: {  	_ =	shalt  }
0x4f: {  	_ =	shalt  }
0x50: {  	_ =	shalt  }
0x51: {  	_ =	shalt  }
0x52: {  	_ =	shalt  }
0x53: {  	_ =	shalt  }
0x54: {  	_ =	shalt  }
0x55: {  	_ =	shalt  }
0x56: {  	_ =	shalt  }
0x57: {  	_ =	shalt  }
0x58: {  	_ =	shalt  }
0x59: {  	_ =	shalt  }
0x5a: {  	_ =	shalt  }
0x5b: {  	_ =	shalt  }
0x5c: {  	_ =	shalt  }
0x5d: {  	_ =	shalt  }
0x5e: {  	_ =	shalt  }
0x5f: {  	_ =	shalt  }
0x60: {  	_ =	shalt  }
0x61: {  	_ =	shalt  }
0x62: {  	_ =	shalt  }
0x63: {  	_ =	shalt  }
0x64: {  	_ =	shalt  }
0x65: {  	_ =	shalt  }
0x66: {  	_ =	shalt  }
0x67: {  	_ =	shalt  }
0x68: {  	_ =	shalt  }
0x69: {  	_ =	shalt  }
0x6a: {  	_ =	shalt  }
0x6b: {  	_ =	shalt  }
0x6c: {  	_ =	shalt  }
0x6d: {  	_ =	shalt  }
0x6e: {  	_ =	shalt  }
0x6f: {  	_ =	shalt  }
0x70: {  	_ =	shalt  }
0x71: {  	_ =	shalt  }
0x72: {  	_ =	shalt  }
0x73: {  	_ =	shalt  }
0x74: {  	_ =	shalt  }
0x75: {  	_ =	shalt  }
0x76: {  	_ =	shalt  }
0x77: {  	_ =	shalt  }
0x78: {  	_ =	shalt  }
0x79: {  	_ =	shalt  }
0x7a: {  	_ =	shalt  }
0x7b: {  	_ =	shalt  }
0x7c: {  	_ =	shalt  }
0x7d: {  	_ =	shalt  }
0x7e: {  	_ =	shalt  }
0x7f: {  	_ =	shalt  }
0x80: {  	_ =	shalt  }
0x81: {  	_ =	shalt  }
0x82: {  	_ =	shalt  }
0x83: {  	_ =	shalt  }
0x84: {  	_ =	shalt  }
0x85: {  	_ =	shalt  }
0x86: {  	_ =	shalt  }
0x87: {  	_ =	shalt  }
.Lfunc_end0:
.L_simem_size_0:
called_computation.1_lowered:
.L_overlay_start_0:
0x88: {  	s2 =	sld [smem:$0x3FD9]  }
0x89: {  	s3 =	sld [smem:$0x3FFE];
	_ =	sdelay $0x1  }
0x8a: {  	s1 =	srdreg.scid  }
0x8b: {  	s0 =	sand.u32 $0x1, s1  }
0x8c: {  	s17 =	sshll.u32 s0, $0xA;
	s2 =	sadd.s32 s3, s2  }
0x8d: {  	s2 =	sadd.s32 s2, s17  }
0x8e: {  	[smem:$0x3FC0] =	sst s2  }
0x8f: {  	_ = 	snop  }
0x90: {  	s2 =	sld [smem:$0x3FD0];
	(tm) =	ssettm $0x1  }
0x91: {  	s18 =	sld [smem:$0x3FFB];
	_ =	sdelay $0x3  }
0x92: {  	_ =	strace s18  }
0x93: {  	s3 =	sld [smem:$0x3FFC];
	_ =	sdelay $0x3  }
0x94: {  	_ =	strace s3  }
0x95: {  	s3 =	sld [smem:$0x3FFD];
	_ =	sdelay $0x3  }
0x96: {  	_ =	strace s3  }
0x97: {  	_ =	strace $0x8FFFFFFF  }
0x98: {  	s19 =	sld [smem:$0x3FDB];
	_ =	sdelay $0x1  }
0x99: {  	s4 =	simm.s32 $_scs_section_size  }
0x9a: {  	s5 =	simm.s32 $_size__tile_overlayer_lowered;
	s6 =	simm.s32 $_tile_overlayer_lowered  }
0x9b: {  	s22 =	simm.s32 $0x1BFF;
	s21 =	sshll.u32 s6, $0x1;
	s3 =	sadd.s32 s4, s19  }
0x9c: {  	s7 =	simm.s32 $0x0;
	s20 =	sshll.u32 s5, $0x1;
	s5 =	sadd.s32 s21, s3  }
0x9d: {  	[timem:s7], [sflag:s22] =	dma.local [hbm:s5], s20  }
0x9e: {  	_ =	swait.ge [sflag:s22], s20  }
0x9f: {  	s4 =	ssub.s32 $0x0, s20;
	[sflag:s22] =	ssyncset.done $0x0  }
0xa0: {  	[sflag:s22] =	ssyncadd.s32 s4;
	_ =	sdelay $0x1  }
0xa1: {  	s23 =	simm.s32 $0x1B8B  }
0xa2: {  	_ =	swait.ge [sflag:s23], $0x1  }
0xa3: {  	[sflag:s23] =	ssyncset.done $0x0  }
0xa4: {  	s25 =	simm.s32 $0x1B8E;
	s24 =	sld [smem:$0x3FFE];
	[sflag:s23] =	ssyncadd.s32 $0xFFFFFFFF  }
0xa5: {  	s26 =	simm.s32 $execute0_lowered;
	[smem:$0x3FD2] =	sst s25  }
0xa6: {  	s5 =	sshll.u32 s26, $0x1;
	_ =	strace $0x80000046;
	[dreg:$0x1] =	wrdreg $0xFFFFFFFF  }
0xa7: {  	s28 =	simm.s32 $_size_execute0_lowered;
	s3 =	sadd.s32 s3, s5;
	[dreg:$0x0] =	wrdreg $0x0  }
0xa8: {  	s5 =	sshll.u32 s28, $0x1;
	[dreg:$0x2] =	wrdreg s3  }
0xa9: {  	[dreg:$0x3] =	wrdreg s5  }
0xaa: {  	[dreg:$0x4] =	wrdreg $0xC0  }
0xab: {  	_ =	task [dreg:s7], $0x5FFFF  }
0xac: {  	[dreg:$0x1] =	wrdreg $0xFFFFFFFF  }
0xad: {  	[dreg:$0x0] =	wrdreg $0x60  }
0xae: {  	[dreg:$0x2] =	wrdreg s2  }
0xaf: {  	[dreg:$0x3] =	wrdreg s24  }
0xb0: {  	[dreg:$0x4] =	wrdreg $0x41000  }
0xb1: {  	[dreg:$0x5] =	wrdreg $0xA  }
0xb2: {  	_ =	task.clear_ibuf [dreg:s7], $0x6FFFF;
	_ =	strace $0x90000046  }
0xb3: {  	s29 =	simm.s32 $0xA;
	_ =	strace $0x80000048  }
0xb4: {  	_ =	swait.ge [sflag:s29], $0x1  }
0xb5: {  	[sflag:s29] =	ssyncadd.s32 $0xFFFFFFFF  }
0xb6: {  	_ =	strace $0x90000048  }
0xb7: {  	_ =	sfence  }
0xb8: {  	s30 =	sld [smem:$0x0];
	_ =	sdelay $0x2  }
0xb9: {  	s31 =	sshll.u32 s1, $0xD;
	s1 =	sshrl.u32 s1, $0x2  }
0xba: {  	s3 =	sand.u32 $0x4000, s31;
	s1 =	sadd.s32 s1, s30  }
0xbb: {  	s0 =	sor.u32 s3, s0;
	s1 =	sshll.u32 s1, $0x11  }
0xbc: {  	s0 =	sor.u32 s1, s0  }
0xbd: {  	s0 =	sadd.s32 $0x8F2B, s0  }
0xbe: {  	[sflag:s0] =	ssyncadd.remote.s32 $0x1  }
0xbf: {  	_ =	sfence.sel $0xFFFF  }
0xc0: {  	[dreg:$0x0] =	wrdreg $0xFFFFFFFF;
	(pc) =	sbr.abs _section_cstart, $3  }
0xc1: {  	[dreg:$0x1] =	wrdreg $0xFFFFFFFF  }
0xc2: {  	_ =	task.clear_ibuf [dreg:s7], $0x2FFFF;
	_ =	strace $0x9FFFFFFF  }
0xc3: {  	(tm) =	ssettm $0x7FFFFFFF  }
tec
execute0_lowered:
.L_overlay_start_1:
0x0: {  	(tag) =	ssettag $0x1  }
0x1: {  	s13 =	rddreg [dreg:$0x0]  }
0x2: {  	s0 =	srdreg.scid;
	s6 =	rddreg [dreg:$0x1]  }
0x3: {  	s2 =	rddreg [dreg:$0x2];
	s5 =	sand.u32 $0x1, s0  }
0x4: {  	s0 =	stileid.u32;
	s4 =	smul.u32 $0x4E800, s5  }
0x5: {  	s1 =	rddreg [dreg:$0x3];
	s3 =	simm.s32 $0x0;
	s7 =	smul.u32 $0x4E80, s0  }
0x6: {  	s15 =	simm.s32 $0x2;
	s16 =	simm.s32 $0x80;
	s8 =	smul.u32 $0x278, s0  }
0x7: {  	s17 =	simm.s32 $0x1;
	s20 =	simm.s32 $0x0;
	s28 =	smul.u32 $0x2780, s5  }
0x8: {  	[smem:$0x7FF] =	sst s3;
	s9 =	smul.u32 $0x4F000, s0;
	s29 =	ssub.s32 $0x2, s5  }
0x9: {  	_ =	strace $0x80000047;
	s18 =	sshll.u32 s0, $0x6;
	s31 =	sshrl.u32 s29, $0x1  }
0xa: {  	s18 =	sor.u32 $0x1C02, s18;
	s4 =	sadd.s32 s7, s4;
	s7 =	sadd.s32 s8, s28  }
0xb: {  	s30 =	sshrl.u32 s9, $0x2;
	s11 =	ssub.s32 s29, s31;
	s14 =	sshrl.u32 s4, $0x3  }
0xc: {  	s4 =	sadd.s32 $0x2A600, s6;
	s7 =	sshll.u32 s7, $0x4;
	s5 =	sadd.s32 s30, s2  }
0xd: {  	s11 =	smax.u32 s11, $0x1;
	s12 =	sadd.s32 s14, s6;
	s10 =	sadd.s32 s7, s6  }
0xe: {  	s6 =	sadd.s32 $0x4000, s5;
	s7 =	sadd.s32 $0x8000, s5;
	s8 =	sadd.s32 $0xC000, s5  }
0xf: {  	s9 =	sadd.s32 $0x10000, s5;
	s13 =	sadd.s32 s14, s13;
	s14 =	simm.s32 $0x100  }
0x10: {  	v0 =	vimm.f32 $0.0e+00;
	s19 =	sshrl.u32 s5, $0x3;
	s10 =	sadd.s32 $0x66600, s10;
	s12 =	sadd.s32 $0x52C00, s12  }
.LBB2_1:
0x11: {  	s21 =	simm.s32 $0x0;
	s22 =	simm.s32 $0x200  }
.LBB2_2:
0x12: {  	p0 =	sne.s32 s22, $0xFE00;
	[tilespmem:s21+$0x170] =	vst v0  }
0x13: {  	[tilespmem:s21+$0x100] =	vst v0  }
0x14: {  	[tilespmem:s21+$0x110] =	vst v0  }
.Ltmp0:
0x15: {  	[tilespmem:s21+$0x120] =	vst v0;
	(pc) =	sbr.rel @p0 .LBB2_2-.Ltmp0, $4  }
0x16: {  	[tilespmem:s21+$0x130] =	vst v0  }
0x17: {  	[tilespmem:s21+$0x140] =	vst v0  }
0x18: {  	[tilespmem:s21+$0x150] =	vst v0  }
0x19: {  	[tilespmem:s21+$0x160] =	vst v0;
	s21 =	sshra.s32 s22, $0x2;
	s22 =	sadd.s32 $0x200, s22  }
0x1a: {  	[tilespmem:s21+$0x170] =	vst v0  }
0x1b: {  	[tilespmem:s21+$0x100] =	vst v0  }
0x1c: {  	[tilespmem:s21+$0x110] =	vst v0  }
0x1d: {  	[tilespmem:s21+$0x120] =	vst v0  }
0x1e: {  	[tilespmem:s21+$0x130] =	vst v0  }
0x1f: {  	[tilespmem:s21+$0x140] =	vst v0  }
0x20: {  	[tilespmem:s21+$0x150] =	vst v0  }
0x21: {  	[tilespmem:s21+$0x160] =	vst v0  }
0x22: {  	[spmem:s5] =	stream.linear.scatter [tilespmem:s14], [sflag:$0x2], $0x4000, $0x38;
	[tilespmem:$0x17D00] =	vst v63  }
0x23: {  	_ =	swait.ge [sflag:s15], $0x4000  }
0x24: {  	[sflag:s15] =	ssyncset.done $0x0  }
0x25: {  	[sflag:s15] =	ssyncadd.s32 $0xFFFFC000  }
0x26: {  	[spmem:s6] =	stream.linear.scatter [tilespmem:s14], [sflag:$0x2], $0x4000, $0x38;
	[tilespmem:$0x17D00] =	vst v63  }
0x27: {  	_ =	swait.ge [sflag:s15], $0x4000  }
0x28: {  	[sflag:s15] =	ssyncset.done $0x0  }
0x29: {  	[sflag:s15] =	ssyncadd.s32 $0xFFFFC000  }
0x2a: {  	[spmem:s7] =	stream.linear.scatter [tilespmem:s14], [sflag:$0x2], $0x4000, $0x38;
	[tilespmem:$0x17D00] =	vst v63  }
0x2b: {  	_ =	swait.ge [sflag:s15], $0x4000  }
0x2c: {  	[sflag:s15] =	ssyncset.done $0x0  }
0x2d: {  	[sflag:s15] =	ssyncadd.s32 $0xFFFFC000  }
0x2e: {  	[spmem:s8] =	stream.linear.scatter [tilespmem:s14], [sflag:$0x2], $0x4000, $0x38;
	[tilespmem:$0x17D00] =	vst v63  }
0x2f: {  	_ =	swait.ge [sflag:s15], $0x4000  }
0x30: {  	[sflag:s15] =	ssyncset.done $0x0  }
0x31: {  	[sflag:s15] =	ssyncadd.s32 $0xFFFFC000  }
0x32: {  	[spmem:s9] =	stream.linear.scatter [tilespmem:s14], [sflag:$0x2], $0x3C00, $0x38;
	[tilespmem:$0x17D00] =	vst v63  }
0x33: {  	_ =	swait.ge [sflag:s15], $0x3C00  }
0x34: {  	[sflag:s15] =	ssyncset.done $0x0  }
0x35: {  	[sflag:s15] =	ssyncadd.s32 $0xFFFFC400  }
0x36: {  	s30 =	sadd.s32 $0x0, s13;
	[bflag:$0x0] =	sbarrier.arrive $0xFFFF  }
0x37: {  	[tilespmem:s3], [sflag:$0x2] =	stream.linear.gather [hbm4b:s30+s3], $0x80, $0x38;
	[tilespmem:$0x17D00] =	vst v63  }
0x38: {  	_ =	swait.ge [sflag:s15], $0x80  }
0x39: {  	[sflag:s15] =	ssyncset.done $0x0  }
0x3a: {  	s31 =	sadd.s32 $0x0, s12;
	[sflag:s15] =	ssyncadd.s32 $0xFFFFFF80  }
0x3b: {  	[tilespmem:s16], [sflag:$0x2] =	stream.linear.gather [hbm4b:s31+s3], $0x80, $0x38;
	[tilespmem:$0x17D00] =	vst v63  }
0x3c: {  	_ =	swait.ge [sflag:s15], $0x80  }
0x3d: {  	[sflag:s15] =	ssyncset.done $0x0  }
0x3e: {  	[sflag:s15] =	ssyncadd.s32 $0xFFFFFF80  }
0x3f: {  	[tilespmem:s14], [sflag:$0x1] =	stream.indirect.gather [hbm4b:s4+s16], $0x80, s3, s16, $0xb8;
	[tilespmem:$0x17D00] =	vst v63  }
0x40: {  	_ =	swait.ge [sflag:s17], $0x4000  }
0x41: {  	[sflag:s17] =	ssyncset.done $0x0  }
0x42: {  	[sflag:s17] =	ssyncadd.s32 $0xFFFFC000  }
0x43: {  	[spmem:s2] =	stream.indirect.scatter.add.f32 [tilespmem:s14], [sflag:$0x2], $0x80, s16, s16, $0xb8;
	[tilespmem:$0x17D00] =	vst v63  }
0x44: {  	_ =	swait.ge [sflag:s15], $0x4000  }
0x45: {  	s21 =	simm.s32 $0x10;
	s22 =	simm.s32 $0x20;
	[sflag:s15] =	ssyncset.done $0x0  }
.LBB2_4:
0x46: {  	s23 =	sadd.s32 s21, s13  }
0x47: {  	[sflag:s15] =	ssyncadd.s32 $0xFFFFC000;
	s24 =	smov.u32 s22;
	s25 =	sadd.s32 $0x10, s22  }
0x48: {  	[tilespmem:s3], [sflag:$0x2] =	stream.linear.gather [hbm4b:s23+s3], $0x80, $0x38;
	[tilespmem:$0x17D00] =	vst v63  }
0x49: {  	p0 =	sne.s32 s22, $0x9C0;
	_ =	swait.ge [sflag:s15], $0x80  }
0x4a: {  	[sflag:s15] =	ssyncset.done $0x0  }
0x4b: {  	s22 =	sadd.s32 s21, s12;
	s21 =	smov.u32 s24;
	[sflag:s15] =	ssyncadd.s32 $0xFFFFFF80  }
0x4c: {  	[tilespmem:s16], [sflag:$0x2] =	stream.linear.gather [hbm4b:s22+s3], $0x80, $0x38;
	[tilespmem:$0x17D00] =	vst v63  }
0x4d: {  	_ =	swait.ge [sflag:s15], $0x80  }
0x4e: {  	[sflag:s15] =	ssyncset.done $0x0  }
0x4f: {  	[sflag:s15] =	ssyncadd.s32 $0xFFFFFF80  }
0x50: {  	[tilespmem:s14], [sflag:$0x1] =	stream.indirect.gather [hbm4b:s4+s16], $0x80, s3, s16, $0xb8;
	[tilespmem:$0x17D00] =	vst v63  }
0x51: {  	_ =	swait.ge [sflag:s17], $0x4000  }
.Ltmp1:
0x52: {  	[sflag:s17] =	ssyncset.done $0x0;
	(pc) =	sbr.rel @p0 .LBB2_4-.Ltmp1, $4  }
0x53: {  	[sflag:s17] =	ssyncadd.s32 $0xFFFFC000  }
0x54: {  	[spmem:s2] =	stream.indirect.scatter.add.f32 [tilespmem:s14], [sflag:$0x2], $0x80, s16, s16, $0xb8;
	[tilespmem:$0x17D00] =	vst v63  }
0x55: {  	_ =	swait.ge [sflag:s15], $0x4000  }
0x56: {  	s22 =	smov.u32 s25;
	[sflag:s15] =	ssyncset.done $0x0  }
0x57: {  	s22 =	sadd.s32 s21, s13;
	[sflag:s15] =	ssyncadd.s32 $0xFFFFC000  }
0x58: {  	[tilespmem:s3], [sflag:$0x2] =	stream.linear.gather [hbm4b:s22+s3], $0x80, $0x38;
	[tilespmem:$0x17D00] =	vst v63  }
0x59: {  	_ =	swait.ge [sflag:s15], $0x80  }
0x5a: {  	[sflag:s15] =	ssyncset.done $0x0  }
0x5b: {  	s31 =	sadd.s32 s21, s12;
	[sflag:s15] =	ssyncadd.s32 $0xFFFFFF80  }
0x5c: {  	[tilespmem:s16], [sflag:$0x2] =	stream.linear.gather [hbm4b:s31+s3], $0x80, $0x38;
	[tilespmem:$0x17D00] =	vst v63  }
0x5d: {  	_ =	swait.ge [sflag:s15], $0x80  }
0x5e: {  	[sflag:s15] =	ssyncset.done $0x0  }
0x5f: {  	[sflag:s15] =	ssyncadd.s32 $0xFFFFFF80  }
0x60: {  	[tilespmem:s14], [sflag:$0x1] =	stream.indirect.gather [hbm4b:s4+s16], $0x80, s3, s16, $0xb8;
	[tilespmem:$0x17D00] =	vst v63  }
0x61: {  	_ =	swait.ge [sflag:s17], $0x4000  }
0x62: {  	[sflag:s17] =	ssyncset.done $0x0  }
0x63: {  	[sflag:s17] =	ssyncadd.s32 $0xFFFFC000  }
0x64: {  	[spmem:s2] =	stream.indirect.scatter.add.f32 [tilespmem:s14], [sflag:$0x2], $0x80, s16, s16, $0xb8;
	[tilespmem:$0x17D00] =	vst v63  }
0x65: {  	_ =	swait.ge [sflag:s15], $0x4000  }
0x66: {  	s20 =	sadd.s32 $0x1, s20;
	[sflag:s15] =	ssyncset.done $0x0  }
0x67: {  	p0 =	sne.s32 s20, s11;
	[sflag:s15] =	ssyncadd.s32 $0xFFFFC000  }
.Ltmp2:
0x68: {  	[bflag:$0x0] =	sbarrier.arrive $0xFFFF;
	(pc) =	sbr.rel @p0 .LBB2_1-.Ltmp2, $4  }
0x69: {  	[hbm:s10], [sflag:s18] =	dma.local [spmem:s19], $0x2780  }
0x6a: {  	_ =	swait.ge [sflag:s15], $0x2780  }
0x6b: {  	[sflag:s15] =	ssyncset.done $0x0  }
0x6c: {  	[sflag:s15] =	ssyncadd.s32 $0xFFFFD880  }
0x6d: {  	_ =	sfence.sel $0x180000  }
0x6e: {  	[bflag:$0x0] =	sbarrier.arrive $0xFFFF  }
0x6f: {  	p0 =	sne.s32 s0, $0x0;
	_ =	strace $0x90000047  }
0x70: {  	s0 =	sadd.s32 @!p0 $0x100000, s1;
	[bflag:$0x2] =	sbarrier.arrive $0xFFFF  }
0x71: {  	[sflag:s0] =	ssyncadd.tile.s32 @!p0 $0x1;
	_ =	shalt  }
.Lfunc_end2:
_tile_overlayer_lowered:
.L_overlay_start_2:
0x72: {  	(tag) =	ssettag $0x2  }
0x73: {  	s0 =	rddreg [dreg:$0x0];
	s2 =	stileid.u32  }
0x74: {  	s1 =	rddreg [dreg:$0x1];
	p0 =	sne.s32 s2, $0x0  }
0x75: {  	s3 =	rddreg [dreg:$0x2];
	[bflag:$0x3] =	sbarrier.arrive $0xFFFF;
	s2 =	simm.s32 @!p0 $0x1C02  }
0x76: {  	[timem:s3], [sflag:s2] =	dma.local @!p0 [hbm:s0], s1  }
0x77: {  	s0 =	simm.s32 @!p0 $0x2  }
0x78: {  	_ =	swait.ge @!p0 [sflag:s0], s1  }
0x79: {  	s1 =	ssub.s32 @!p0 $0x0, s1;
	[sflag:s0] =	ssyncset.done @!p0 $0x0  }
0x7a: {  	[sflag:s0] =	ssyncadd.s32 @!p0 s1  }
0x7b: {  	[bflag:$0x3] =	sbarrier.arrive $0xFFFF  }
0x7c: {  	_ =	shalt  }

// kernel: kernel.16.cloned.1.call-start
scs
__scs_entry_jumppad:
0x0: {  	(pc) =	sbr.rel $0x88, $3  }
0x1: {  	(tag) =	ssettag $0x0;
	lr =	simm.s32 $0x1  }
0x2: {  	[smem:$0x3F99] =	sst lr;
	_ =	strace $0xD0000000  }
0x3: {  	_ = 	snop  }
0x4: {  	_ = 	snop  }
0x5: {  	_ = 	snop  }
0x6: {  	_ = 	snop  }
0x7: {  	_ = 	snop  }
__scs_overlays_trampoline_lowered:
0x8: {  	[smem:$0x3FA8] =	sst s0  }
0x9: {  	[smem:$0x3FA9] =	sst s1  }
0xa: {  	[smem:$0x3FAA] =	sst s2  }
0xb: {  	[smem:$0x3FAB] =	sst s3  }
0xc: {  	[smem:$0x3FAC] =	sst s4  }
0xd: {  	[smem:$0x3FAD] =	sst s5  }
0xe: {  	[smem:$0x3FAE] =	sst s6  }
0xf: {  	[smem:$0x3FAF] =	sst s7  }
0x10: {  	[smem:$0x3FB0] =	sst s8  }
0x11: {  	[smem:$0x3FB1] =	sst s9;
	s0 =	simm.s32 @!p0 $0x0  }
0x12: {  	s1 =	sld [smem:$0x3F97];
	s0 =	simm.s32 @p0 $0x1  }
0x13: {  	[smem:$0x3FB2] =	sst s0;
	s0 =	simm.s32 @!p1 $0x0  }
0x14: {  	s2 =	sld [smem:$0x3F96];
	s0 =	simm.s32 @p1 $0x1  }
0x15: {  	[smem:$0x3FB3] =	sst s0;
	s0 =	simm.s32 @!p2 $0x0  }
0x16: {  	s3 =	sld [smem:$0x3FDB];
	s0 =	simm.s32 @p2 $0x1  }
0x17: {  	s4 =	simm.s32 $0x1BF5;
	[smem:$0x3FB5] =	sst s0  }
0x18: {  	s0 =	sld [smem:$0x3F98];
	_ =	swait.ge [sflag:s4], $0x0  }
0x19: {  	s7 =	sld [smem:$0x3F99]  }
0x1a: {  	s8 =	sadd.s32 $0xFFFFE003, lr  }
0x1b: {  	s9 =	sadd.s32 $0xFFFFFEF7, lr;
	s5 =	simm.s32 $0xFFFFFFFF;
	p2 =	slt.u32 s8, $0xFFFFF086  }
0x1c: {  	p1 =	slt.u32 s9, $0xF7A;
	s5 =	simm.s32 @!p2 $0x0  }
0x1d: {  	s5 =	simm.s32 @p1 $0x1;
	p0 =	seq.s32 s7, s2  }
0x1e: {  	s7 =	smul.u32 @!p0 $0xF7A, s2;
	p2 =	seq.s32 @!p0 s5, $0x0  }
0x1f: {  	s9 =	smul.u32 $0xF7A, s1;
	s8 =	simm.s32 @!p0 $0x1BF5;
	p2 =	por !p2, p0  }
0x20: {  	[sflag:s8] =	ssyncset.s32 @!p0 $0xFFFFF086;
	s6 =	sadd.s32 @!p0 s3, s7;
	s7 =	simm.s32 @!p0 $0x108  }
0x21: {  	s3 =	sadd.s32 s3, s9;
	s6 =	sadd.s32 @!p0 $0x88, s6;
	s7 =	simm.s32 @p2 $0x1082  }
0x22: {  	[simem:s7], [sflag:s8] =	dma.local @!p0 [hbm:s6], $0xF7A  }
0x23: {  	s9 =	sor.u32 $0xD0000000, s2;
	s6 =	simm.s32 $0x108;
	_ =	swait.ge @!p0 [sflag:s8], $0x0  }
0x24: {  	s3 =	sadd.s32 $0x88, s3;
	s6 =	simm.s32 @!p1 $0x1082;
	[sflag:s4] =	ssyncset.s32 $0xFFFFF086  }
0x25: {  	[simem:s6], [sflag:s4] =	dma.local [hbm:s3], $0xF7A  }
0x26: {  	[smem:$0x3F99] =	sst s1;
	(tag) =	ssettag s2;
	_ =	strace s9  }
0x27: {  	s1 =	sld [smem:$0x3FA9]  }
0x28: {  	s2 =	sld [smem:$0x3FAA]  }
0x29: {  	s4 =	sld [smem:$0x3FAC]  }
0x2a: {  	p0 =	seq.s32 s5, $0x0;
	s5 =	sld [smem:$0x3FAD]  }
0x2b: {  	s6 =	sld [smem:$0x3FAE]  }
0x2c: {  	s7 =	sld [smem:$0x3FAF]  }
0x2d: {  	s3 =	simm.s32 $0x108;
	s8 =	sld [smem:$0x3FB0]  }
0x2e: {  	s3 =	simm.s32 @!p0 $0x1082;
	s9 =	sld [smem:$0x3FB1]  }
0x2f: {  	lr =	sadd.s32 s0, s3;
	s0 =	sld [smem:$0x3FA8]  }
0x30: {  	s3 =	sld [smem:$0x3FAB]  }
0x31: {  	[smem:$0x3FB4] =	sst s10  }
0x32: {  	s10 =	sld [smem:$0x3FB2];
	_ =	sdelay $0x3  }
0x33: {  	p0 =	seq.s32 s10, $0x1;
	s10 =	sld [smem:$0x3FB4];
	_ =	sdelay $0x3  }
0x34: {  	[smem:$0x3FB4] =	sst s10  }
0x35: {  	s10 =	sld [smem:$0x3FB3];
	_ =	sdelay $0x3  }
0x36: {  	p1 =	seq.s32 s10, $0x1;
	s10 =	sld [smem:$0x3FB4];
	_ =	sdelay $0x3  }
0x37: {  	[smem:$0x3FB4] =	sst s10  }
0x38: {  	s10 =	sld [smem:$0x3FB5]  }
0x39: {  	_ = 	snop;
	(pc) =	sbr.ind lr, $3  }
0x3a: {  	_ = 	snop  }
0x3b: {  	_ = 	snop  }
0x3c: {  	p2 =	seq.s32 s10, $0x1;
	s10 =	sld [smem:$0x3FB4]  }
0x3d: {  	_ =	shalt  }
0x3e: {  	_ =	shalt  }
0x3f: {  	_ =	shalt  }
0x40: {  	_ =	shalt  }
0x41: {  	_ =	shalt  }
0x42: {  	_ =	shalt  }
0x43: {  	_ =	shalt  }
0x44: {  	_ =	shalt  }
0x45: {  	_ =	shalt  }
0x46: {  	_ =	shalt  }
0x47: {  	_ =	shalt  }
0x48: {  	_ =	shalt  }
0x49: {  	_ =	shalt  }
0x4a: {  	_ =	shalt  }
0x4b: {  	_ =	shalt  }
0x4c: {  	_ =	shalt  }
0x4d: {  	_ =	shalt  }
0x4e: {  	_ =	shalt  }
0x4f: {  	_ =	shalt  }
0x50: {  	_ =	shalt  }
0x51: {  	_ =	shalt  }
0x52: {  	_ =	shalt  }
0x53: {  	_ =	shalt  }
0x54: {  	_ =	shalt  }
0x55: {  	_ =	shalt  }
0x56: {  	_ =	shalt  }
0x57: {  	_ =	shalt  }
0x58: {  	_ =	shalt  }
0x59: {  	_ =	shalt  }
0x5a: {  	_ =	shalt  }
0x5b: {  	_ =	shalt  }
0x5c: {  	_ =	shalt  }
0x5d: {  	_ =	shalt  }
0x5e: {  	_ =	shalt  }
0x5f: {  	_ =	shalt  }
0x60: {  	_ =	shalt  }
0x61: {  	_ =	shalt  }
0x62: {  	_ =	shalt  }
0x63: {  	_ =	shalt  }
0x64: {  	_ =	shalt  }
0x65: {  	_ =	shalt  }
0x66: {  	_ =	shalt  }
0x67: {  	_ =	shalt  }
0x68: {  	_ =	shalt  }
0x69: {  	_ =	shalt  }
0x6a: {  	_ =	shalt  }
0x6b: {  	_ =	shalt  }
0x6c: {  	_ =	shalt  }
0x6d: {  	_ =	shalt  }
0x6e: {  	_ =	shalt  }
0x6f: {  	_ =	shalt  }
0x70: {  	_ =	shalt  }
0x71: {  	_ =	shalt  }
0x72: {  	_ =	shalt  }
0x73: {  	_ =	shalt  }
0x74: {  	_ =	shalt  }
0x75: {  	_ =	shalt  }
0x76: {  	_ =	shalt  }
0x77: {  	_ =	shalt  }
0x78: {  	_ =	shalt  }
0x79: {  	_ =	shalt  }
0x7a: {  	_ =	shalt  }
0x7b: {  	_ =	shalt  }
0x7c: {  	_ =	shalt  }
0x7d: {  	_ =	shalt  }
0x7e: {  	_ =	shalt  }
0x7f: {  	_ =	shalt  }
0x80: {  	_ =	shalt  }
0x81: {  	_ =	shalt  }
0x82: {  	_ =	shalt  }
0x83: {  	_ =	shalt  }
0x84: {  	_ =	shalt  }
0x85: {  	_ =	shalt  }
0x86: {  	_ =	shalt  }
0x87: {  	_ =	shalt  }
.Lfunc_end0:
.L_simem_size_0:
called_computation.2_lowered:
.L_overlay_start_0:
0x88: {  	s2 =	sld [smem:$0x3FD9]  }
0x89: {  	s3 =	sld [smem:$0x3FFE];
	_ =	sdelay $0x1  }
0x8a: {  	s1 =	srdreg.scid  }
0x8b: {  	s0 =	sand.u32 $0x1, s1  }
0x8c: {  	s17 =	sshll.u32 s0, $0xA;
	s2 =	sadd.s32 s3, s2  }
0x8d: {  	s2 =	sadd.s32 s2, s17  }
0x8e: {  	[smem:$0x3FC0] =	sst s2  }
0x8f: {  	_ = 	snop  }
0x90: {  	s2 =	sld [smem:$0x3FD0];
	(tm) =	ssettm $0x1  }
0x91: {  	s18 =	sld [smem:$0x3FFB];
	_ =	sdelay $0x3  }
0x92: {  	_ =	strace s18  }
0x93: {  	s3 =	sld [smem:$0x3FFC];
	_ =	sdelay $0x3  }
0x94: {  	_ =	strace s3  }
0x95: {  	s3 =	sld [smem:$0x3FFD];
	_ =	sdelay $0x3  }
0x96: {  	_ =	strace s3  }
0x97: {  	_ =	strace $0x8FFFFFFF  }
0x98: {  	s19 =	sld [smem:$0x3FDB];
	_ =	sdelay $0x1  }
0x99: {  	s4 =	simm.s32 $_scs_section_size  }
0x9a: {  	s5 =	simm.s32 $_size__tile_overlayer_lowered;
	s6 =	simm.s32 $_tile_overlayer_lowered  }
0x9b: {  	s22 =	simm.s32 $0x1BFF;
	s21 =	sshll.u32 s6, $0x1;
	s3 =	sadd.s32 s4, s19  }
0x9c: {  	s7 =	simm.s32 $0x0;
	s20 =	sshll.u32 s5, $0x1;
	s5 =	sadd.s32 s21, s3  }
0x9d: {  	[timem:s7], [sflag:s22] =	dma.local [hbm:s5], s20  }
0x9e: {  	_ =	swait.ge [sflag:s22], s20  }
0x9f: {  	s4 =	ssub.s32 $0x0, s20;
	[sflag:s22] =	ssyncset.done $0x0  }
0xa0: {  	[sflag:s22] =	ssyncadd.s32 s4;
	_ =	sdelay $0x1  }
0xa1: {  	s23 =	simm.s32 $0x1B8B  }
0xa2: {  	_ =	swait.ge [sflag:s23], $0x1  }
0xa3: {  	[sflag:s23] =	ssyncset.done $0x0  }
0xa4: {  	s25 =	simm.s32 $0x1B8E;
	s24 =	sld [smem:$0x3FFE];
	[sflag:s23] =	ssyncadd.s32 $0xFFFFFFFF  }
0xa5: {  	s26 =	simm.s32 $execute0_lowered;
	[smem:$0x3FD2] =	sst s25  }
0xa6: {  	s5 =	sshll.u32 s26, $0x1;
	_ =	strace $0x8000004C;
	[dreg:$0x1] =	wrdreg $0xFFFFFFFF  }
0xa7: {  	s28 =	simm.s32 $_size_execute0_lowered;
	s3 =	sadd.s32 s3, s5;
	[dreg:$0x0] =	wrdreg $0x0  }
0xa8: {  	s5 =	sshll.u32 s28, $0x1;
	[dreg:$0x2] =	wrdreg s3  }
0xa9: {  	[dreg:$0x3] =	wrdreg s5  }
0xaa: {  	[dreg:$0x4] =	wrdreg $0xC0  }
0xab: {  	_ =	task [dreg:s7], $0x5FFFF  }
0xac: {  	[dreg:$0x1] =	wrdreg $0xFFFFFFFF  }
0xad: {  	[dreg:$0x0] =	wrdreg $0x60  }
0xae: {  	[dreg:$0x2] =	wrdreg s2  }
0xaf: {  	[dreg:$0x3] =	wrdreg s24  }
0xb0: {  	[dreg:$0x4] =	wrdreg $0x41000  }
0xb1: {  	[dreg:$0x5] =	wrdreg $0x9  }
0xb2: {  	_ =	task.clear_ibuf [dreg:s7], $0x6FFFF;
	_ =	strace $0x9000004C  }
0xb3: {  	s29 =	simm.s32 $0x9;
	_ =	strace $0x8000004E  }
0xb4: {  	_ =	swait.ge [sflag:s29], $0x1  }
0xb5: {  	[sflag:s29] =	ssyncadd.s32 $0xFFFFFFFF  }
0xb6: {  	_ =	strace $0x9000004E  }
0xb7: {  	_ =	sfence  }
0xb8: {  	s30 =	sld [smem:$0x0];
	_ =	sdelay $0x2  }
0xb9: {  	s31 =	sshll.u32 s1, $0xD;
	s1 =	sshrl.u32 s1, $0x2  }
0xba: {  	s3 =	sand.u32 $0x4000, s31;
	s1 =	sadd.s32 s1, s30  }
0xbb: {  	s0 =	sor.u32 s3, s0;
	s1 =	sshll.u32 s1, $0x11  }
0xbc: {  	s0 =	sor.u32 s1, s0  }
0xbd: {  	s0 =	sadd.s32 $0x8F2B, s0  }
0xbe: {  	[sflag:s0] =	ssyncadd.remote.s32 $0x1  }
0xbf: {  	_ =	sfence.sel $0xFFFF  }
0xc0: {  	[dreg:$0x0] =	wrdreg $0xFFFFFFFF;
	(pc) =	sbr.abs _section_cstart, $3  }
0xc1: {  	[dreg:$0x1] =	wrdreg $0xFFFFFFFF  }
0xc2: {  	_ =	task.clear_ibuf [dreg:s7], $0x2FFFF;
	_ =	strace $0x9FFFFFFF  }
0xc3: {  	(tm) =	ssettm $0x7FFFFFFF  }
tec
execute0_lowered:
.L_overlay_start_1:
0x0: {  	(tag) =	ssettag $0x1  }
0x1: {  	s13 =	rddreg [dreg:$0x0]  }
0x2: {  	s0 =	srdreg.scid;
	s6 =	rddreg [dreg:$0x1]  }
0x3: {  	s2 =	rddreg [dreg:$0x2];
	s5 =	sand.u32 $0x1, s0  }
0x4: {  	s0 =	stileid.u32;
	s4 =	smul.u32 $0x4E800, s5  }
0x5: {  	s1 =	rddreg [dreg:$0x3];
	s3 =	simm.s32 $0x0;
	s7 =	smul.u32 $0x4E80, s0  }
0x6: {  	s15 =	simm.s32 $0x2;
	s16 =	simm.s32 $0x80;
	s8 =	smul.u32 $0x278, s0  }
0x7: {  	s17 =	simm.s32 $0x1;
	s20 =	simm.s32 $0x0;
	s28 =	smul.u32 $0x2780, s5  }
0x8: {  	[smem:$0x7FF] =	sst s3;
	s9 =	smul.u32 $0x4F000, s0;
	s29 =	ssub.s32 $0x2, s5  }
0x9: {  	_ =	strace $0x8000004D;
	s18 =	sshll.u32 s0, $0x6;
	s31 =	sshrl.u32 s29, $0x1  }
0xa: {  	s18 =	sor.u32 $0x1C02, s18;
	s4 =	sadd.s32 s7, s4;
	s7 =	sadd.s32 s8, s28  }
0xb: {  	s30 =	sshrl.u32 s9, $0x2;
	s11 =	ssub.s32 s29, s31;
	s14 =	sshrl.u32 s4, $0x3  }
0xc: {  	s4 =	sadd.s32 $0x8DE00, s6;
	s7 =	sshll.u32 s7, $0x4;
	s5 =	sadd.s32 s30, s2  }
0xd: {  	s11 =	smax.u32 s11, $0x1;
	s12 =	sadd.s32 s14, s6;
	s10 =	sadd.s32 s7, s6  }
0xe: {  	s6 =	sadd.s32 $0x4000, s5;
	s7 =	sadd.s32 $0x8000, s5;
	s8 =	sadd.s32 $0xC000, s5  }
0xf: {  	s9 =	sadd.s32 $0x10000, s5;
	s13 =	sadd.s32 s14, s13;
	s14 =	simm.s32 $0x100  }
0x10: {  	v0 =	vimm.f32 $0.0e+00;
	s19 =	sshrl.u32 s5, $0x3;
	s10 =	sadd.s32 $0xB6400, s10;
	s12 =	sadd.s32 $0x52C00, s12  }
.LBB2_1:
0x11: {  	s21 =	simm.s32 $0x0;
	s22 =	simm.s32 $0x200  }
.LBB2_2:
0x12: {  	p0 =	sne.s32 s22, $0xFE00;
	[tilespmem:s21+$0x170] =	vst v0  }
0x13: {  	[tilespmem:s21+$0x100] =	vst v0  }
0x14: {  	[tilespmem:s21+$0x110] =	vst v0  }
.Ltmp0:
0x15: {  	[tilespmem:s21+$0x120] =	vst v0;
	(pc) =	sbr.rel @p0 .LBB2_2-.Ltmp0, $4  }
0x16: {  	[tilespmem:s21+$0x130] =	vst v0  }
0x17: {  	[tilespmem:s21+$0x140] =	vst v0  }
0x18: {  	[tilespmem:s21+$0x150] =	vst v0  }
0x19: {  	[tilespmem:s21+$0x160] =	vst v0;
	s21 =	sshra.s32 s22, $0x2;
	s22 =	sadd.s32 $0x200, s22  }
0x1a: {  	[tilespmem:s21+$0x170] =	vst v0  }
0x1b: {  	[tilespmem:s21+$0x100] =	vst v0  }
0x1c: {  	[tilespmem:s21+$0x110] =	vst v0  }
0x1d: {  	[tilespmem:s21+$0x120] =	vst v0  }
0x1e: {  	[tilespmem:s21+$0x130] =	vst v0  }
0x1f: {  	[tilespmem:s21+$0x140] =	vst v0  }
0x20: {  	[tilespmem:s21+$0x150] =	vst v0  }
0x21: {  	[tilespmem:s21+$0x160] =	vst v0  }
0x22: {  	[spmem:s5] =	stream.linear.scatter [tilespmem:s14], [sflag:$0x2], $0x4000, $0x38;
	[tilespmem:$0x17D00] =	vst v63  }
0x23: {  	_ =	swait.ge [sflag:s15], $0x4000  }
0x24: {  	[sflag:s15] =	ssyncset.done $0x0  }
0x25: {  	[sflag:s15] =	ssyncadd.s32 $0xFFFFC000  }
0x26: {  	[spmem:s6] =	stream.linear.scatter [tilespmem:s14], [sflag:$0x2], $0x4000, $0x38;
	[tilespmem:$0x17D00] =	vst v63  }
0x27: {  	_ =	swait.ge [sflag:s15], $0x4000  }
0x28: {  	[sflag:s15] =	ssyncset.done $0x0  }
0x29: {  	[sflag:s15] =	ssyncadd.s32 $0xFFFFC000  }
0x2a: {  	[spmem:s7] =	stream.linear.scatter [tilespmem:s14], [sflag:$0x2], $0x4000, $0x38;
	[tilespmem:$0x17D00] =	vst v63  }
0x2b: {  	_ =	swait.ge [sflag:s15], $0x4000  }
0x2c: {  	[sflag:s15] =	ssyncset.done $0x0  }
0x2d: {  	[sflag:s15] =	ssyncadd.s32 $0xFFFFC000  }
0x2e: {  	[spmem:s8] =	stream.linear.scatter [tilespmem:s14], [sflag:$0x2], $0x4000, $0x38;
	[tilespmem:$0x17D00] =	vst v63  }
0x2f: {  	_ =	swait.ge [sflag:s15], $0x4000  }
0x30: {  	[sflag:s15] =	ssyncset.done $0x0  }
0x31: {  	[sflag:s15] =	ssyncadd.s32 $0xFFFFC000  }
0x32: {  	[spmem:s9] =	stream.linear.scatter [tilespmem:s14], [sflag:$0x2], $0x3C00, $0x38;
	[tilespmem:$0x17D00] =	vst v63  }
0x33: {  	_ =	swait.ge [sflag:s15], $0x3C00  }
0x34: {  	[sflag:s15] =	ssyncset.done $0x0  }
0x35: {  	[sflag:s15] =	ssyncadd.s32 $0xFFFFC400  }
0x36: {  	s30 =	sadd.s32 $0x0, s13;
	[bflag:$0x0] =	sbarrier.arrive $0xFFFF  }
0x37: {  	[tilespmem:s3], [sflag:$0x2] =	stream.linear.gather [hbm4b:s30+s3], $0x80, $0x38;
	[tilespmem:$0x17D00] =	vst v63  }
0x38: {  	_ =	swait.ge [sflag:s15], $0x80  }
0x39: {  	[sflag:s15] =	ssyncset.done $0x0  }
0x3a: {  	s31 =	sadd.s32 $0x0, s12;
	[sflag:s15] =	ssyncadd.s32 $0xFFFFFF80  }
0x3b: {  	[tilespmem:s16], [sflag:$0x2] =	stream.linear.gather [hbm4b:s31+s3], $0x80, $0x38;
	[tilespmem:$0x17D00] =	vst v63  }
0x3c: {  	_ =	swait.ge [sflag:s15], $0x80  }
0x3d: {  	[sflag:s15] =	ssyncset.done $0x0  }
0x3e: {  	[sflag:s15] =	ssyncadd.s32 $0xFFFFFF80  }
0x3f: {  	[tilespmem:s14], [sflag:$0x1] =	stream.indirect.gather [hbm4b:s4+s16], $0x80, s3, s16, $0xb8;
	[tilespmem:$0x17D00] =	vst v63  }
0x40: {  	_ =	swait.ge [sflag:s17], $0x4000  }
0x41: {  	[sflag:s17] =	ssyncset.done $0x0  }
0x42: {  	[sflag:s17] =	ssyncadd.s32 $0xFFFFC000  }
0x43: {  	[spmem:s2] =	stream.indirect.scatter.add.f32 [tilespmem:s14], [sflag:$0x2], $0x80, s16, s16, $0xb8;
	[tilespmem:$0x17D00] =	vst v63  }
0x44: {  	_ =	swait.ge [sflag:s15], $0x4000  }
0x45: {  	s21 =	simm.s32 $0x10;
	s22 =	simm.s32 $0x20;
	[sflag:s15] =	ssyncset.done $0x0  }
.LBB2_4:
0x46: {  	s23 =	sadd.s32 s21, s13  }
0x47: {  	[sflag:s15] =	ssyncadd.s32 $0xFFFFC000;
	s24 =	smov.u32 s22;
	s25 =	sadd.s32 $0x10, s22  }
0x48: {  	[tilespmem:s3], [sflag:$0x2] =	stream.linear.gather [hbm4b:s23+s3], $0x80, $0x38;
	[tilespmem:$0x17D00] =	vst v63  }
0x49: {  	p0 =	sne.s32 s22, $0x9C0;
	_ =	swait.ge [sflag:s15], $0x80  }
0x4a: {  	[sflag:s15] =	ssyncset.done $0x0  }
0x4b: {  	s22 =	sadd.s32 s21, s12;
	s21 =	smov.u32 s24;
	[sflag:s15] =	ssyncadd.s32 $0xFFFFFF80  }
0x4c: {  	[tilespmem:s16], [sflag:$0x2] =	stream.linear.gather [hbm4b:s22+s3], $0x80, $0x38;
	[tilespmem:$0x17D00] =	vst v63  }
0x4d: {  	_ =	swait.ge [sflag:s15], $0x80  }
0x4e: {  	[sflag:s15] =	ssyncset.done $0x0  }
0x4f: {  	[sflag:s15] =	ssyncadd.s32 $0xFFFFFF80  }
0x50: {  	[tilespmem:s14], [sflag:$0x1] =	stream.indirect.gather [hbm4b:s4+s16], $0x80, s3, s16, $0xb8;
	[tilespmem:$0x17D00] =	vst v63  }
0x51: {  	_ =	swait.ge [sflag:s17], $0x4000  }
.Ltmp1:
0x52: {  	[sflag:s17] =	ssyncset.done $0x0;
	(pc) =	sbr.rel @p0 .LBB2_4-.Ltmp1, $4  }
0x53: {  	[sflag:s17] =	ssyncadd.s32 $0xFFFFC000  }
0x54: {  	[spmem:s2] =	stream.indirect.scatter.add.f32 [tilespmem:s14], [sflag:$0x2], $0x80, s16, s16, $0xb8;
	[tilespmem:$0x17D00] =	vst v63  }
0x55: {  	_ =	swait.ge [sflag:s15], $0x4000  }
0x56: {  	s22 =	smov.u32 s25;
	[sflag:s15] =	ssyncset.done $0x0  }
0x57: {  	s22 =	sadd.s32 s21, s13;
	[sflag:s15] =	ssyncadd.s32 $0xFFFFC000  }
0x58: {  	[tilespmem:s3], [sflag:$0x2] =	stream.linear.gather [hbm4b:s22+s3], $0x80, $0x38;
	[tilespmem:$0x17D00] =	vst v63  }
0x59: {  	_ =	swait.ge [sflag:s15], $0x80  }
0x5a: {  	[sflag:s15] =	ssyncset.done $0x0  }
0x5b: {  	s31 =	sadd.s32 s21, s12;
	[sflag:s15] =	ssyncadd.s32 $0xFFFFFF80  }
0x5c: {  	[tilespmem:s16], [sflag:$0x2] =	stream.linear.gather [hbm4b:s31+s3], $0x80, $0x38;
	[tilespmem:$0x17D00] =	vst v63  }
0x5d: {  	_ =	swait.ge [sflag:s15], $0x80  }
0x5e: {  	[sflag:s15] =	ssyncset.done $0x0  }
0x5f: {  	[sflag:s15] =	ssyncadd.s32 $0xFFFFFF80  }
0x60: {  	[tilespmem:s14], [sflag:$0x1] =	stream.indirect.gather [hbm4b:s4+s16], $0x80, s3, s16, $0xb8;
	[tilespmem:$0x17D00] =	vst v63  }
0x61: {  	_ =	swait.ge [sflag:s17], $0x4000  }
0x62: {  	[sflag:s17] =	ssyncset.done $0x0  }
0x63: {  	[sflag:s17] =	ssyncadd.s32 $0xFFFFC000  }
0x64: {  	[spmem:s2] =	stream.indirect.scatter.add.f32 [tilespmem:s14], [sflag:$0x2], $0x80, s16, s16, $0xb8;
	[tilespmem:$0x17D00] =	vst v63  }
0x65: {  	_ =	swait.ge [sflag:s15], $0x4000  }
0x66: {  	s20 =	sadd.s32 $0x1, s20;
	[sflag:s15] =	ssyncset.done $0x0  }
0x67: {  	p0 =	sne.s32 s20, s11;
	[sflag:s15] =	ssyncadd.s32 $0xFFFFC000  }
.Ltmp2:
0x68: {  	[bflag:$0x0] =	sbarrier.arrive $0xFFFF;
	(pc) =	sbr.rel @p0 .LBB2_1-.Ltmp2, $4  }
0x69: {  	[hbm:s10], [sflag:s18] =	dma.local [spmem:s19], $0x2780  }
0x6a: {  	_ =	swait.ge [sflag:s15], $0x2780  }
0x6b: {  	[sflag:s15] =	ssyncset.done $0x0  }
0x6c: {  	[sflag:s15] =	ssyncadd.s32 $0xFFFFD880  }
0x6d: {  	_ =	sfence.sel $0x180000  }
0x6e: {  	[bflag:$0x0] =	sbarrier.arrive $0xFFFF  }
0x6f: {  	p0 =	sne.s32 s0, $0x0;
	_ =	strace $0x9000004D  }
0x70: {  	s0 =	sadd.s32 @!p0 $0x100000, s1;
	[bflag:$0x2] =	sbarrier.arrive $0xFFFF  }
0x71: {  	[sflag:s0] =	ssyncadd.tile.s32 @!p0 $0x1;
	_ =	shalt  }
.Lfunc_end2:
_tile_overlayer_lowered:
.L_overlay_start_2:
0x72: {  	(tag) =	ssettag $0x2  }
0x73: {  	s0 =	rddreg [dreg:$0x0];
	s2 =	stileid.u32  }
0x74: {  	s1 =	rddreg [dreg:$0x1];
	p0 =	sne.s32 s2, $0x0  }
0x75: {  	s3 =	rddreg [dreg:$0x2];
	[bflag:$0x3] =	sbarrier.arrive $0xFFFF;
	s2 =	simm.s32 @!p0 $0x1C02  }
0x76: {  	[timem:s3], [sflag:s2] =	dma.local @!p0 [hbm:s0], s1  }
0x77: {  	s0 =	simm.s32 @!p0 $0x2  }
0x78: {  	_ =	swait.ge @!p0 [sflag:s0], s1  }
0x79: {  	s1 =	ssub.s32 @!p0 $0x0, s1;
	[sflag:s0] =	ssyncset.done @!p0 $0x0  }
0x7a: {  	[sflag:s0] =	ssyncadd.s32 @!p0 s1  }
0x7b: {  	[bflag:$0x3] =	sbarrier.arrive $0xFFFF  }
0x7c: {  	_ =	shalt  }

</sc_bundles>
